<compile_context>
chip_gen: v7x
topology: tpu7x:2x2x1
jax: 0.10.2.dev20260603
libtpu: 0.0.44.dev20260713+nightly
codegen_flags: <defaults>
</compile_context>

<pallas_src>
import jax
import jax.numpy as jnp
from jax import lax
from jax.experimental import pallas as pl
from jax.experimental.pallas import tpu as pltpu
from jax.experimental.pallas import tpu_sc as plsc

F = 26
B = 4096
V = 100000
D = 64
NLANE = 16
NC = 2
NS = 16
NW = NC * NS
NB = 256
IPF = B // NB
NITEMS = F * IPF
IPW = NITEMS // NW
C = 768
CJ = C // 128
KD = D // NLANE


def _sload(ref, i):
    return ref[pl.ds(i, NLANE)][0]


def _sc_body(vals_hbm, offs_hbm, tab_hbm, out_hbm,
             offs_v, idx_v, rows_v, out_v, sems):
    w = lax.axis_index("s") * NC + lax.axis_index("c")

    def item_loop(i, _):
        item = w * IPW + i
        f = item // IPF
        bag0 = (item % IPF) * NB
        goff = f * B + bag0

        pltpu.sync_copy(offs_hbm.at[pl.ds(goff, NB + 32)], offs_v)

        def zero_loop(z, _):
            for k in range(KD):
                out_v[z, pl.ds(k * NLANE, NLANE)] = jnp.zeros((NLANE,),
                                                              jnp.float32)
            return 0

        lax.fori_loop(0, NB, zero_loop, 0)

        p_start = _sload(offs_v, 0)
        p_end = _sload(offs_v, NB)
        p8 = (p_start // 8) * 8
        nsub = (p_end - p8 + (C - 1)) // C

        def fire(fsub, par):
            base = p8 + fsub * C
            pltpu.sync_copy(vals_hbm.at[pl.ds(base, C)],
                            idx_v.at[pl.ds(par * C, C)])
            for j in range(CJ):
                pltpu.async_copy(
                    tab_hbm.at[f].at[idx_v.at[pl.ds(par * C + j * 128,
                                                    128)]],
                    rows_v.at[par, pl.ds(j * 128, 128)], sems.at[par])

        @pl.when(nsub > 0)
        def _():
            fire(jnp.int32(0), jnp.int32(0))

        def sub_loop(sub, carry):
            s, a0, a1, a2, a3 = carry
            par = lax.rem(sub, 2)

            @pl.when(sub + 1 < nsub)
            def _():
                fire(sub + 1, 1 - par)

            pltpu.make_async_copy(
                tab_hbm.at[0].at[pl.ds(0, C)], rows_v.at[par],
                sems.at[par]).wait()

            base = p8 + sub * C
            lim = base + C

            def bs_step(_, lh):
                blo, bhi = lh
                mid = (blo + bhi) // 2
                pred = _sload(offs_v, mid) < lim
                blo = jnp.where(pred, mid + 1, blo)
                bhi = jnp.where(pred, bhi, mid)
                return (blo, bhi)

            s_end, _ = lax.fori_loop(0, 9, bs_step, (s, jnp.int32(NB)))

            def bag_body(sb, a):
                a0, a1, a2, a3 = a
                o_pair = offs_v[pl.ds(sb, NLANE)]
                o_lo = o_pair[0]
                o_hi = o_pair[1]
                lo = jnp.maximum(o_lo, base)
                hi = jnp.minimum(o_hi, lim)

                lob = lo - base
                npair = (hi - lo) // 2

                def row2_body(t, aa):
                    lr = lob + 2 * t
                    x0 = (rows_v[par, lr, pl.ds(0, NLANE)]
                          + rows_v[par, lr + 1, pl.ds(0, NLANE)])
                    x1 = (rows_v[par, lr, pl.ds(NLANE, NLANE)]
                          + rows_v[par, lr + 1, pl.ds(NLANE, NLANE)])
                    x2 = (rows_v[par, lr, pl.ds(2 * NLANE, NLANE)]
                          + rows_v[par, lr + 1, pl.ds(2 * NLANE, NLANE)])
                    x3 = (rows_v[par, lr, pl.ds(3 * NLANE, NLANE)]
                          + rows_v[par, lr + 1, pl.ds(3 * NLANE, NLANE)])
                    return (aa[0] + x0, aa[1] + x1,
                            aa[2] + x2, aa[3] + x3)

                def row_body(r, aa):
                    lr = r - base
                    return (aa[0] + rows_v[par, lr, pl.ds(0, NLANE)],
                            aa[1] + rows_v[par, lr, pl.ds(NLANE, NLANE)],
                            aa[2] + rows_v[par, lr, pl.ds(2 * NLANE, NLANE)],
                            aa[3] + rows_v[par, lr, pl.ds(3 * NLANE, NLANE)])

                a0, a1, a2, a3 = lax.fori_loop(0, npair, row2_body,
                                               (a0, a1, a2, a3))
                a0, a1, a2, a3 = lax.fori_loop(lo + 2 * npair, hi,
                                               row_body,
                                               (a0, a1, a2, a3))
                done = o_hi <= lim
                srow = jnp.where(done, sb, jnp.int32(NB))
                out_v[srow, pl.ds(0, NLANE)] = a0
                out_v[srow, pl.ds(NLANE, NLANE)] = a1
                out_v[srow, pl.ds(2 * NLANE, NLANE)] = a2
                out_v[srow, pl.ds(3 * NLANE, NLANE)] = a3
                zero = jnp.zeros((NLANE,), jnp.float32)
                a0 = jnp.where(done, zero, a0)
                a1 = jnp.where(done, zero, a1)
                a2 = jnp.where(done, zero, a2)
                a3 = jnp.where(done, zero, a3)
                return (a0, a1, a2, a3)

            a0, a1, a2, a3 = lax.fori_loop(s, s_end, bag_body,
                                           (a0, a1, a2, a3))
            last = jnp.maximum(s_end - 1, s)
            incomplete = _sload(offs_v, last + 1) > lim
            s = jnp.where(s_end > s,
                          s_end - incomplete.astype(jnp.int32), s)
            return (s, a0, a1, a2, a3)

        zero = jnp.zeros((NLANE,), jnp.float32)
        lax.fori_loop(0, nsub, sub_loop,
                      (jnp.int32(0), zero, zero, zero, zero))

        pltpu.sync_copy(out_v.at[pl.ds(0, NB)],
                        out_hbm.at[pl.ds(bag0, NB), f])
        return 0

    lax.fori_loop(0, IPW, item_loop, 0)


@jax.jit
def _ebc_sc(vals_pad, offs_pad, tab3):
    mesh = plsc.VectorSubcoreMesh(core_axis_name="c", subcore_axis_name="s")
    return pl.kernel(
        _sc_body,
        out_type=jax.ShapeDtypeStruct((B, F, D), jnp.float32),
        mesh=mesh,
        compiler_params=pltpu.CompilerParams(use_tc_tiling_on_sc=False),
        scratch_types=[
            pltpu.VMEM((NB + 32,), jnp.int32),
            pltpu.VMEM((2 * C,), jnp.int32),
            pltpu.VMEM((2, C, D), jnp.float32),
            pltpu.VMEM((NB + 1, D), jnp.float32),
            pltpu.SemaphoreType.DMA((2,)),
        ],
    )(vals_pad, offs_pad, tab3)


def kernel(values, offsets, tables):
    total = values.shape[0]
    vals_pad = jnp.concatenate(
        [values, jnp.zeros((C + 8,), jnp.int32)])
    offs_pad = jnp.concatenate(
        [offsets, jnp.full((NB + 64,), jnp.int32(total))])
    pooled = _ebc_sc(vals_pad, offs_pad, tables)
    return pooled.reshape(B, F * D)

# --- scband reference (transcript-rebuilt; emitter-appended) ---
"""Pipeline reference for scband-embedding-bag-collection-34291018891792 (READ-ONLY COPY).

The authoritative reference and input builder live on the scoring server;
editing this copy changes nothing except your own understanding.
"""

import jax, jax.numpy as jnp
import numpy as np

F = 26        # number of features / tables
B = 4096      # batch size
V = 100000    # num_embeddings per table
D = 64        # embedding_dim per table
L = 20        # average bag length
TOTAL = F * B * L


def setup_inputs(seed: int = 0) -> dict:
    key = jax.random.key(seed)
    k1, k2, k3 = jax.random.split(key, 3)
    # KJT values: flat indices for all features/bags (int32; values < V)
    values = jax.random.randint(k1, (TOTAL,), 0, V, dtype=jnp.int32)
    # KJT offsets: length F*B+1, non-decreasing, include_last_offset semantics
    offsets = jnp.sort(jax.random.randint(k2, (F * B + 1,), 0, TOTAL, dtype=jnp.int32))
    offsets = offsets.at[0].set(0).at[-1].set(TOTAL)
    # Stacked embedding tables: one [V, D] table per feature, mode='sum'
    tables = jax.random.normal(k3, (F, V, D), dtype=jnp.float32) * 0.02
    return {"values": values, "offsets": offsets, "tables": tables}


def reference(values, offsets, tables):
    total = values.shape[0]
    # segment id (flattened feature*batch bag index) for each value
    seg = jnp.searchsorted(offsets, jnp.arange(total, dtype=offsets.dtype), side='right') - 1
    seg = jnp.clip(seg, 0, F * B - 1)
    # which table each value belongs to
    feat = seg // B
    # embedding lookup against the per-feature table
    gathered = tables[feat, values]  # [TOTAL, D]
    # sum-pool each jagged bag (empty bags -> zeros, matching nn.EmbeddingBag)
    pooled = jax.ops.segment_sum(gathered, seg, num_segments=F * B)  # [F*B, D]
    # KeyedTensor layout: [B, sum(dims)] with per-feature slices concatenated
    out = pooled.reshape(F, B, D).transpose(1, 0, 2).reshape(B, F * D)
    return out

if __name__ == "__main__":
    import jax
    _d = setup_inputs()
    print(jax.jit(kernel)(*tuple(_d.values())))

</pallas_src>

<mosaic_0001>
#map = affine_map<(d0, d1) -> (0)>
#map1 = affine_map<(d0, d1) -> (0, 0, 0)>
module attributes {stable_mosaic.version = 14 : i64} {
  func.func @_sc_body(%arg0: i32, %arg1: i32, %arg2: memref<2130696xi32, #tpu.memory_space<hbm>>, %arg3: memref<106817xi32, #tpu.memory_space<hbm>>, %arg4: memref<26x100000x64xf32, #tpu.memory_space<hbm>>, %arg5: memref<4096x26x64xf32, #tpu.memory_space<hbm>>, %arg6: memref<288xi32, #tpu.memory_space<vmem>>, %arg7: memref<1536xi32, #tpu.memory_space<vmem>>, %arg8: memref<2x768x64xf32, #tpu.memory_space<vmem>>, %arg9: memref<257x64xf32, #tpu.memory_space<vmem>>, %arg10: memref<2x!tpu.dma_semaphore, #tpu.memory_space<semaphore_mem>>) attributes {dimension_semantics = [#tpu.dimension_semantics<core_parallel>, #tpu.dimension_semantics<subcore_parallel>], iteration_bounds = array<i64: 2, 16>, scalar_prefetch = 0 : i64, scratch_operands = 5 : i64, tpu.core_type = #tpu.core_type<sc_vector_subcore>, window_params = [{transform_indices = #map}, {transform_indices = #map}, {transform_indices = #map1}, {transform_indices = #map1}]} {
    %mul3A = arith.constant 2 : i32
    %mul3A_0 = arith.muli %arg1, %mul3A : i32
    %add3A = arith.addi %mul3A_0, %arg0 : i32
    %scan3A = arith.constant 0 : i32
    %scan3A_1 = arith.constant 0 : i32
    %scan3A_2 = arith.constant 13 : i32
    %scan3A_3 = arith.addi %scan3A_1, %scan3A_2 : i32
    %scan3A_4 = arith.constant 1 : i32
    %scan3A_5 = scf.for %scan3A_7 = %scan3A_1 to %scan3A_3 step %scan3A_4 iter_args(%scan3A_8 = %scan3A) -> (i32)  : i32 {
      %mul3A_9 = arith.constant 13 : i32
      %mul3A_10 = arith.muli %add3A, %mul3A_9 : i32
      %add3A_11 = arith.addi %mul3A_10, %scan3A_7 : i32
      %jit3A = arith.constant 16 : i32
      %div3A = arith.divsi %add3A_11, %jit3A : i32
      %sign3A = arith.constant 0 : i32
      %sign3A_12 = arith.cmpi sgt, %add3A_11, %sign3A : i32
      %sign3A_13 = arith.extui %sign3A_12 : i1 to i32
      %sign3A_14 = arith.constant 0 : i32
      %sign3A_15 = arith.cmpi slt, %add3A_11, %sign3A_14 : i32
      %sign3A_16 = arith.extui %sign3A_15 : i1 to i32
      %sign3A_17 = arith.subi %sign3A_13, %sign3A_16 : i32
      %sign3A_18 = arith.constant 0 : i32
      %sign3A_19 = arith.cmpi sgt, %jit3A, %sign3A_18 : i32
      %sign3A_20 = arith.extui %sign3A_19 : i1 to i32
      %sign3A_21 = arith.constant 0 : i32
      %sign3A_22 = arith.cmpi slt, %jit3A, %sign3A_21 : i32
      %sign3A_23 = arith.extui %sign3A_22 : i1 to i32
      %sign3A_24 = arith.subi %sign3A_20, %sign3A_23 : i32
      %ne3A = arith.cmpi ne, %sign3A_17, %sign3A_24 : i32
      %rem3A = arith.remsi %add3A_11, %jit3A : i32
      %ne3A_25 = arith.constant 0 : i32
      %ne3A_26 = arith.cmpi ne, %rem3A, %ne3A_25 : i32
      %and3A = arith.andi %ne3A, %ne3A_26 : i1
      %sub3A = arith.constant 1 : i32
      %sub3A_27 = arith.subi %div3A, %sub3A : i32
      %select_n3A = arith.select %and3A, %sub3A_27, %div3A : i32
      %jit3A_28 = arith.constant 16 : i32
      %eq3A = arith.constant 0 : i32
      %eq3A_29 = arith.cmpi eq, %jit3A_28, %eq3A : i32
      %jit3A_30 = arith.constant 1 : i32
      %select_n3A_31 = arith.select %eq3A_29, %jit3A_30, %jit3A_28 : i32
      %rem3A_32 = arith.remsi %add3A_11, %select_n3A_31 : i32
      %ne3A_33 = arith.constant 0 : i32
      %ne3A_34 = arith.cmpi ne, %rem3A_32, %ne3A_33 : i32
      %lt3A = arith.constant 0 : i32
      %lt3A_35 = arith.cmpi slt, %rem3A_32, %lt3A : i32
      %lt3A_36 = arith.constant 0 : i32
      %lt3A_37 = arith.cmpi slt, %select_n3A_31, %lt3A_36 : i32
      %ne3A_38 = arith.xori %lt3A_35, %lt3A_37 : i1
      %and3A_39 = arith.andi %ne3A_38, %ne3A_34 : i1
      %add3A_40 = arith.addi %rem3A_32, %select_n3A_31 : i32
      %select_n3A_41 = arith.select %and3A_39, %add3A_40, %rem3A_32 : i32
      %mul3A_42 = arith.constant 256 : i32
      %mul3A_43 = arith.muli %select_n3A_41, %mul3A_42 : i32
      %mul3A_44 = arith.constant 4096 : i32
      %mul3A_45 = arith.muli %select_n3A, %mul3A_44 : i32
      %add3A_46 = arith.addi %mul3A_45, %mul3A_43 : i32
      "tpu.region"() ({
        %run_scoped3A = tpu.sem_alloc : memref<!tpu.dma_semaphore, #tpu.memory_space<semaphore_mem>>
        %dma_start3A = tpu.memref_slice %arg3[%add3A_46] : memref<106817xi32, #tpu.memory_space<hbm>> -> memref<288xi32, #tpu.memory_space<hbm>>
        %dma_start3A_129 = tpu.memref_slice %arg3[%add3A_46] : memref<106817xi32, #tpu.memory_space<hbm>> -> memref<288xi32, #tpu.memory_space<hbm>>
        tpu.enqueue_dma source(%dma_start3A_129 : memref<288xi32, #tpu.memory_space<hbm>>) target(%arg6 : memref<288xi32, #tpu.memory_space<vmem>>) target_semaphore(%run_scoped3A : memref<!tpu.dma_semaphore, #tpu.memory_space<semaphore_mem>>)
        %dma_wait3A = tpu.memref_slice %arg3[%add3A_46] : memref<106817xi32, #tpu.memory_space<hbm>> -> memref<288xi32, #tpu.memory_space<hbm>>
        %dma_wait3A_130 = tpu.memref_slice %arg3[%add3A_46] : memref<106817xi32, #tpu.memory_space<hbm>> -> memref<288xi32, #tpu.memory_space<hbm>>
        tpu.wait_dma2 semaphore(%run_scoped3A : memref<!tpu.dma_semaphore, #tpu.memory_space<semaphore_mem>>) src(%dma_wait3A_130 : memref<288xi32, #tpu.memory_space<hbm>>) dst(%arg6 : memref<288xi32, #tpu.memory_space<vmem>>)
        tpu.yield
      }) : () -> ()
      %scan3A_47 = arith.constant 0 : i32
      %scan3A_48 = arith.constant 0 : i32
      %scan3A_49 = arith.constant 256 : i32
      %scan3A_50 = arith.addi %scan3A_48, %scan3A_49 : i32
      %scan3A_51 = arith.constant 1 : i32
      %scan3A_52 = scf.for %scan3A_129 = %scan3A_48 to %scan3A_50 step %scan3A_51 iter_args(%scan3A_130 = %scan3A_47) -> (i32)  : i32 {
        %broadcast_in_dim3A_131 = arith.constant 0.000000e+00 : f32
        %broadcast_in_dim3A_132 = vector.broadcast %broadcast_in_dim3A_131 : f32 to vector<16xf32>
        %swap3A = arith.index_cast %scan3A_129 : i32 to index
        %swap3A_133 = arith.constant 0 : index
        %swap3A_134 = tpu.vector_load %arg9[%swap3A, %swap3A_133] {strides = array<i32>} : memref<257x64xf32, #tpu.memory_space<vmem>>, vector<1x16xf32>,
        %swap3A_135 = vector.shape_cast %swap3A_134 : vector<1x16xf32> to vector<16xf32>
        %swap3A_136 = vector.shape_cast %broadcast_in_dim3A_132 : vector<16xf32> to vector<1x16xf32>
        tpu.vector_store %arg9[%swap3A, %swap3A_133], %swap3A_136 {strides = array<i32>} : memref<257x64xf32, #tpu.memory_space<vmem>>, vector<1x16xf32>,
        %broadcast_in_dim3A_137 = arith.constant 0.000000e+00 : f32
        %broadcast_in_dim3A_138 = vector.broadcast %broadcast_in_dim3A_137 : f32 to vector<16xf32>
        %swap3A_139 = arith.index_cast %scan3A_129 : i32 to index
        %swap3A_140 = arith.constant 16 : index
        %swap3A_141 = tpu.vector_load %arg9[%swap3A_139, %swap3A_140] {strides = array<i32>} : memref<257x64xf32, #tpu.memory_space<vmem>>, vector<1x16xf32>,
        %swap3A_142 = vector.shape_cast %swap3A_141 : vector<1x16xf32> to vector<16xf32>
        %swap3A_143 = vector.shape_cast %broadcast_in_dim3A_138 : vector<16xf32> to vector<1x16xf32>
        tpu.vector_store %arg9[%swap3A_139, %swap3A_140], %swap3A_143 {strides = array<i32>} : memref<257x64xf32, #tpu.memory_space<vmem>>, vector<1x16xf32>,
        %broadcast_in_dim3A_144 = arith.constant 0.000000e+00 : f32
        %broadcast_in_dim3A_145 = vector.broadcast %broadcast_in_dim3A_144 : f32 to vector<16xf32>
        %swap3A_146 = arith.index_cast %scan3A_129 : i32 to index
        %swap3A_147 = arith.constant 32 : index
        %swap3A_148 = tpu.vector_load %arg9[%swap3A_146, %swap3A_147] {strides = array<i32>} : memref<257x64xf32, #tpu.memory_space<vmem>>, vector<1x16xf32>,
        %swap3A_149 = vector.shape_cast %swap3A_148 : vector<1x16xf32> to vector<16xf32>
        %swap3A_150 = vector.shape_cast %broadcast_in_dim3A_145 : vector<16xf32> to vector<1x16xf32>
        tpu.vector_store %arg9[%swap3A_146, %swap3A_147], %swap3A_150 {strides = array<i32>} : memref<257x64xf32, #tpu.memory_space<vmem>>, vector<1x16xf32>,
        %broadcast_in_dim3A_151 = arith.constant 0.000000e+00 : f32
        %broadcast_in_dim3A_152 = vector.broadcast %broadcast_in_dim3A_151 : f32 to vector<16xf32>
        %swap3A_153 = arith.index_cast %scan3A_129 : i32 to index
        %swap3A_154 = arith.constant 48 : index
        %swap3A_155 = tpu.vector_load %arg9[%swap3A_153, %swap3A_154] {strides = array<i32>} : memref<257x64xf32, #tpu.memory_space<vmem>>, vector<1x16xf32>,
        %swap3A_156 = vector.shape_cast %swap3A_155 : vector<1x16xf32> to vector<16xf32>
        %swap3A_157 = vector.shape_cast %broadcast_in_dim3A_152 : vector<16xf32> to vector<1x16xf32>
        tpu.vector_store %arg9[%swap3A_153, %swap3A_154], %swap3A_157 {strides = array<i32>} : memref<257x64xf32, #tpu.memory_space<vmem>>, vector<1x16xf32>,
        %scan3A_158 = arith.constant 0 : i32
        scf.yield %scan3A_158 : i32
      }
      %scan3A_53 = arith.constant 256 : i32
      %get3A = arith.constant 0 : index
      %get3A_54 = tpu.vector_load %arg6[%get3A] {strides = array<i32>} : memref<288xi32, #tpu.memory_space<vmem>>, vector<16xi32>,
      %get3A_55 = vector.shape_cast %get3A_54 : vector<16xi32> to vector<16xi32>
      %slice3A = vector.extract_strided_slice %get3A_55 {offsets = [0], sizes = [1], strides = [1]} : vector<16xi32> to vector<1xi32>
      %squeeze3A = vector.extract %slice3A[0] : i32 from vector<1xi32>
      %get3A_56 = arith.constant 256 : index
      %get3A_57 = tpu.vector_load %arg6[%get3A_56] {strides = array<i32>} : memref<288xi32, #tpu.memory_space<vmem>>, vector<16xi32>,
      %get3A_58 = vector.shape_cast %get3A_57 : vector<16xi32> to vector<16xi32>
      %slice3A_59 = vector.extract_strided_slice %get3A_58 {offsets = [0], sizes = [1], strides = [1]} : vector<16xi32> to vector<1xi32>
      %squeeze3A_60 = vector.extract %slice3A_59[0] : i32 from vector<1xi32>
      %jit3A_61 = arith.constant 8 : i32
      %div3A_62 = arith.divsi %squeeze3A, %jit3A_61 : i32
      %sign3A_63 = arith.constant 0 : i32
      %sign3A_64 = arith.cmpi sgt, %squeeze3A, %sign3A_63 : i32
      %sign3A_65 = arith.extui %sign3A_64 : i1 to i32
      %sign3A_66 = arith.constant 0 : i32
      %sign3A_67 = arith.cmpi slt, %squeeze3A, %sign3A_66 : i32
      %sign3A_68 = arith.extui %sign3A_67 : i1 to i32
      %sign3A_69 = arith.subi %sign3A_65, %sign3A_68 : i32
      %sign3A_70 = arith.constant 0 : i32
      %sign3A_71 = arith.cmpi sgt, %jit3A_61, %sign3A_70 : i32
      %sign3A_72 = arith.extui %sign3A_71 : i1 to i32
      %sign3A_73 = arith.constant 0 : i32
      %sign3A_74 = arith.cmpi slt, %jit3A_61, %sign3A_73 : i32
      %sign3A_75 = arith.extui %sign3A_74 : i1 to i32
      %sign3A_76 = arith.subi %sign3A_72, %sign3A_75 : i32
      %ne3A_77 = arith.cmpi ne, %sign3A_69, %sign3A_76 : i32
      %rem3A_78 = arith.remsi %squeeze3A, %jit3A_61 : i32
      %ne3A_79 = arith.constant 0 : i32
      %ne3A_80 = arith.cmpi ne, %rem3A_78, %ne3A_79 : i32
      %and3A_81 = arith.andi %ne3A_77, %ne3A_80 : i1
      %sub3A_82 = arith.constant 1 : i32
      %sub3A_83 = arith.subi %div3A_62, %sub3A_82 : i32
      %select_n3A_84 = arith.select %and3A_81, %sub3A_83, %div3A_62 : i32
      %mul3A_85 = arith.constant 8 : i32
      %mul3A_86 = arith.muli %select_n3A_84, %mul3A_85 : i32
      %sub3A_87 = arith.subi %squeeze3A_60, %mul3A_86 : i32
      %add3A_88 = arith.constant 767 : i32
      %add3A_89 = arith.addi %sub3A_87, %add3A_88 : i32
      %jit3A_90 = arith.constant 768 : i32
      %div3A_91 = arith.divsi %add3A_89, %jit3A_90 : i32
      %sign3A_92 = arith.constant 0 : i32
      %sign3A_93 = arith.cmpi sgt, %add3A_89, %sign3A_92 : i32
      %sign3A_94 = arith.extui %sign3A_93 : i1 to i32
      %sign3A_95 = arith.constant 0 : i32
      %sign3A_96 = arith.cmpi slt, %add3A_89, %sign3A_95 : i32
      %sign3A_97 = arith.extui %sign3A_96 : i1 to i32
      %sign3A_98 = arith.subi %sign3A_94, %sign3A_97 : i32
      %sign3A_99 = arith.constant 0 : i32
      %sign3A_100 = arith.cmpi sgt, %jit3A_90, %sign3A_99 : i32
      %sign3A_101 = arith.extui %sign3A_100 : i1 to i32
      %sign3A_102 = arith.constant 0 : i32
      %sign3A_103 = arith.cmpi slt, %jit3A_90, %sign3A_102 : i32
      %sign3A_104 = arith.extui %sign3A_103 : i1 to i32
      %sign3A_105 = arith.subi %sign3A_101, %sign3A_104 : i32
      %ne3A_106 = arith.cmpi ne, %sign3A_98, %sign3A_105 : i32
      %rem3A_107 = arith.remsi %add3A_89, %jit3A_90 : i32
      %ne3A_108 = arith.constant 0 : i32
      %ne3A_109 = arith.cmpi ne, %rem3A_107, %ne3A_108 : i32
      %and3A_110 = arith.andi %ne3A_106, %ne3A_109 : i1
      %sub3A_111 = arith.constant 1 : i32
      %sub3A_112 = arith.subi %div3A_91, %sub3A_111 : i32
      %select_n3A_113 = arith.select %and3A_110, %sub3A_112, %div3A_91 : i32
      %gt3A = arith.constant 0 : i32
      %gt3A_114 = arith.cmpi sgt, %select_n3A_113, %gt3A : i32
      %convert_element_type3A = arith.extui %gt3A_114 : i1 to i32
      %cond3A = arith.constant 0 : i32
      %cond3A_115 = arith.cmpi ne, %convert_element_type3A, %cond3A : i32
      scf.if %cond3A_115 {
        %mul3A_129 = arith.constant 0 : i32
        %mul3A_130 = arith.constant 768 : i32
        %mul3A_131 = arith.muli %mul3A_129, %mul3A_130 : i32
        %add3A_132 = arith.addi %mul3A_86, %mul3A_131 : i32
        %mul3A_133 = arith.constant 0 : i32
        %mul3A_134 = arith.constant 768 : i32
        %mul3A_135 = arith.muli %mul3A_133, %mul3A_134 : i32
        "tpu.region"() ({
          %run_scoped3A = tpu.sem_alloc : memref<!tpu.dma_semaphore, #tpu.memory_space<semaphore_mem>>
          %dma_start3A_261 = tpu.memref_slice %arg7[%mul3A_135] : memref<1536xi32, #tpu.memory_space<vmem>> -> memref<768xi32, #tpu.memory_space<vmem>>
          %dma_start3A_262 = tpu.memref_slice %arg2[%add3A_132] : memref<2130696xi32, #tpu.memory_space<hbm>> -> memref<768xi32, #tpu.memory_space<hbm>>
          %dma_start3A_263 = tpu.memref_slice %arg7[%mul3A_135] : memref<1536xi32, #tpu.memory_space<vmem>> -> memref<768xi32, #tpu.memory_space<vmem>>
          %dma_start3A_264 = tpu.memref_slice %arg2[%add3A_132] : memref<2130696xi32, #tpu.memory_space<hbm>> -> memref<768xi32, #tpu.memory_space<hbm>>
          tpu.enqueue_dma source(%dma_start3A_264 : memref<768xi32, #tpu.memory_space<hbm>>) target(%dma_start3A_263 : memref<768xi32, #tpu.memory_space<vmem>>) target_semaphore(%run_scoped3A : memref<!tpu.dma_semaphore, #tpu.memory_space<semaphore_mem>>)
          %dma_wait3A = tpu.memref_slice %arg7[%mul3A_135] : memref<1536xi32, #tpu.memory_space<vmem>> -> memref<768xi32, #tpu.memory_space<vmem>>
          %dma_wait3A_265 = tpu.memref_slice %arg2[%add3A_132] : memref<2130696xi32, #tpu.memory_space<hbm>> -> memref<768xi32, #tpu.memory_space<hbm>>
          %dma_wait3A_266 = tpu.memref_slice %arg7[%mul3A_135] : memref<1536xi32, #tpu.memory_space<vmem>> -> memref<768xi32, #tpu.memory_space<vmem>>
          %dma_wait3A_267 = tpu.memref_slice %arg2[%add3A_132] : memref<2130696xi32, #tpu.memory_space<hbm>> -> memref<768xi32, #tpu.memory_space<hbm>>
          tpu.wait_dma2 semaphore(%run_scoped3A : memref<!tpu.dma_semaphore, #tpu.memory_space<semaphore_mem>>) src(%dma_wait3A_267 : memref<768xi32, #tpu.memory_space<hbm>>) dst(%dma_wait3A_266 : memref<768xi32, #tpu.memory_space<vmem>>)
          tpu.yield
        }) : () -> ()
        %mul3A_136 = arith.constant 0 : i32
        %mul3A_137 = arith.constant 768 : i32
        %mul3A_138 = arith.muli %mul3A_136, %mul3A_137 : i32
        %add3A_139 = arith.constant 0 : i32
        %add3A_140 = arith.addi %mul3A_138, %add3A_139 : i32
        %dma_start3A = arith.constant 0 : i32
        %dma_start3A_141 = arith.constant 0 : i32
        %dma_start3A_142 = arith.constant 0 : i32
        %dma_start3A_143 = arith.constant 0 : i32
        %dma_start3A_144 = tpu.memref_slice %arg8[%dma_start3A, %dma_start3A_142, %dma_start3A_143] : memref<2x768x64xf32, #tpu.memory_space<vmem>> -> memref<1x128x64xf32, #tpu.memory_space<vmem>>
        %dma_start3A_145 = tpu.memref_squeeze %dma_start3A_144 : memref<1x128x64xf32, #tpu.memory_space<vmem>> -> memref<128x64xf32, #tpu.memory_space<vmem>>
        %dma_start3A_146 = tpu.memref_slice %arg7[%add3A_140] : memref<1536xi32, #tpu.memory_space<vmem>> -> memref<128xi32, #tpu.memory_space<vmem>>
        %dma_start3A_147 = arith.constant 0 : i32
        %dma_start3A_148 = arith.constant 0 : i32
        %dma_start3A_149 = tpu.memref_slice %arg4[%select_n3A, %dma_start3A_147, %dma_start3A_148] : memref<26x100000x64xf32, #tpu.memory_space<hbm>> -> memref<1x100000x64xf32, #tpu.memory_space<hbm>>
        %dma_start3A_150 = tpu.memref_squeeze %dma_start3A_149 : memref<1x100000x64xf32, #tpu.memory_space<hbm>> -> memref<100000x64xf32, #tpu.memory_space<hbm>>
        %dma_start3A_151 = arith.constant 0 : i32
        %dma_start3A_152 = arith.constant 0 : i32
        %dma_start3A_153 = tpu.memref_slice %dma_start3A_150[%dma_start3A_151, %dma_start3A_152] : memref<100000x64xf32, #tpu.memory_space<hbm>> -> memref<100000x64xf32, #tpu.memory_space<hbm>>
        %dma_start3A_154 = tpu.memref_slice %arg10[%dma_start3A_141] : memref<2x!tpu.dma_semaphore, #tpu.memory_space<semaphore_mem>> -> memref<1x!tpu.dma_semaphore, #tpu.memory_space<semaphore_mem>>
        %dma_start3A_155 = tpu.memref_squeeze %dma_start3A_154 : memref<1x!tpu.dma_semaphore, #tpu.memory_space<semaphore_mem>> -> memref<!tpu.dma_semaphore, #tpu.memory_space<semaphore_mem>>
        tpu.enqueue_indirect_dma source(%dma_start3A_153 : memref<100000x64xf32, #tpu.memory_space<hbm>>) target(%dma_start3A_145 : memref<128x64xf32, #tpu.memory_space<vmem>>) offsets(%dma_start3A_146 : memref<128xi32, #tpu.memory_space<vmem>>) semaphore(%dma_start3A_155 : memref<!tpu.dma_semaphore, #tpu.memory_space<semaphore_mem>>)
        %mul3A_156 = arith.constant 0 : i32
        %mul3A_157 = arith.constant 768 : i32
        %mul3A_158 = arith.muli %mul3A_156, %mul3A_157 : i32
        %add3A_159 = arith.constant 128 : i32
        %add3A_160 = arith.addi %mul3A_158, %add3A_159 : i32
        %dma_start3A_161 = arith.constant 0 : i32
        %dma_start3A_162 = arith.constant 0 : i32
        %dma_start3A_163 = arith.constant 128 : i32
        %dma_start3A_164 = arith.constant 0 : i32
        %dma_start3A_165 = tpu.memref_slice %arg8[%dma_start3A_161, %dma_start3A_163, %dma_start3A_164] : memref<2x768x64xf32, #tpu.memory_space<vmem>> -> memref<1x128x64xf32, #tpu.memory_space<vmem>>
        %dma_start3A_166 = tpu.memref_squeeze %dma_start3A_165 : memref<1x128x64xf32, #tpu.memory_space<vmem>> -> memref<128x64xf32, #tpu.memory_space<vmem>>
        %dma_start3A_167 = tpu.memref_slice %arg7[%add3A_160] : memref<1536xi32, #tpu.memory_space<vmem>> -> memref<128xi32, #tpu.memory_space<vmem>>
        %dma_start3A_168 = arith.constant 0 : i32
        %dma_start3A_169 = arith.constant 0 : i32
        %dma_start3A_170 = tpu.memref_slice %arg4[%select_n3A, %dma_start3A_168, %dma_start3A_169] : memref<26x100000x64xf32, #tpu.memory_space<hbm>> -> memref<1x100000x64xf32, #tpu.memory_space<hbm>>
        %dma_start3A_171 = tpu.memref_squeeze %dma_start3A_170 : memref<1x100000x64xf32, #tpu.memory_space<hbm>> -> memref<100000x64xf32, #tpu.memory_space<hbm>>
        %dma_start3A_172 = arith.constant 0 : i32
        %dma_start3A_173 = arith.constant 0 : i32
        %dma_start3A_174 = tpu.memref_slice %dma_start3A_171[%dma_start3A_172, %dma_start3A_173] : memref<100000x64xf32, #tpu.memory_space<hbm>> -> memref<100000x64xf32, #tpu.memory_space<hbm>>
        %dma_start3A_175 = tpu.memref_slice %arg10[%dma_start3A_162] : memref<2x!tpu.dma_semaphore, #tpu.memory_space<semaphore_mem>> -> memref<1x!tpu.dma_semaphore, #tpu.memory_space<semaphore_mem>>
        %dma_start3A_176 = tpu.memref_squeeze %dma_start3A_175 : memref<1x!tpu.dma_semaphore, #tpu.memory_space<semaphore_mem>> -> memref<!tpu.dma_semaphore, #tpu.memory_space<semaphore_mem>>
        tpu.enqueue_indirect_dma source(%dma_start3A_174 : memref<100000x64xf32, #tpu.memory_space<hbm>>) target(%dma_start3A_166 : memref<128x64xf32, #tpu.memory_space<vmem>>) offsets(%dma_start3A_167 : memref<128xi32, #tpu.memory_space<vmem>>) semaphore(%dma_start3A_176 : memref<!tpu.dma_semaphore, #tpu.memory_space<semaphore_mem>>)
        %mul3A_177 = arith.constant 0 : i32
        %mul3A_178 = arith.constant 768 : i32
        %mul3A_179 = arith.muli %mul3A_177, %mul3A_178 : i32
        %add3A_180 = arith.constant 256 : i32
        %add3A_181 = arith.addi %mul3A_179, %add3A_180 : i32
        %dma_start3A_182 = arith.constant 0 : i32
        %dma_start3A_183 = arith.constant 0 : i32
        %dma_start3A_184 = arith.constant 256 : i32
        %dma_start3A_185 = arith.constant 0 : i32
        %dma_start3A_186 = tpu.memref_slice %arg8[%dma_start3A_182, %dma_start3A_184, %dma_start3A_185] : memref<2x768x64xf32, #tpu.memory_space<vmem>> -> memref<1x128x64xf32, #tpu.memory_space<vmem>>
        %dma_start3A_187 = tpu.memref_squeeze %dma_start3A_186 : memref<1x128x64xf32, #tpu.memory_space<vmem>> -> memref<128x64xf32, #tpu.memory_space<vmem>>
        %dma_start3A_188 = tpu.memref_slice %arg7[%add3A_181] : memref<1536xi32, #tpu.memory_space<vmem>> -> memref<128xi32, #tpu.memory_space<vmem>>
        %dma_start3A_189 = arith.constant 0 : i32
        %dma_start3A_190 = arith.constant 0 : i32
        %dma_start3A_191 = tpu.memref_slice %arg4[%select_n3A, %dma_start3A_189, %dma_start3A_190] : memref<26x100000x64xf32, #tpu.memory_space<hbm>> -> memref<1x100000x64xf32, #tpu.memory_space<hbm>>
        %dma_start3A_192 = tpu.memref_squeeze %dma_start3A_191 : memref<1x100000x64xf32, #tpu.memory_space<hbm>> -> memref<100000x64xf32, #tpu.memory_space<hbm>>
        %dma_start3A_193 = arith.constant 0 : i32
        %dma_start3A_194 = arith.constant 0 : i32
        %dma_start3A_195 = tpu.memref_slice %dma_start3A_192[%dma_start3A_193, %dma_start3A_194] : memref<100000x64xf32, #tpu.memory_space<hbm>> -> memref<100000x64xf32, #tpu.memory_space<hbm>>
        %dma_start3A_196 = tpu.memref_slice %arg10[%dma_start3A_183] : memref<2x!tpu.dma_semaphore, #tpu.memory_space<semaphore_mem>> -> memref<1x!tpu.dma_semaphore, #tpu.memory_space<semaphore_mem>>
        %dma_start3A_197 = tpu.memref_squeeze %dma_start3A_196 : memref<1x!tpu.dma_semaphore, #tpu.memory_space<semaphore_mem>> -> memref<!tpu.dma_semaphore, #tpu.memory_space<semaphore_mem>>
        tpu.enqueue_indirect_dma source(%dma_start3A_195 : memref<100000x64xf32, #tpu.memory_space<hbm>>) target(%dma_start3A_187 : memref<128x64xf32, #tpu.memory_space<vmem>>) offsets(%dma_start3A_188 : memref<128xi32, #tpu.memory_space<vmem>>) semaphore(%dma_start3A_197 : memref<!tpu.dma_semaphore, #tpu.memory_space<semaphore_mem>>)
        %mul3A_198 = arith.constant 0 : i32
        %mul3A_199 = arith.constant 768 : i32
        %mul3A_200 = arith.muli %mul3A_198, %mul3A_199 : i32
        %add3A_201 = arith.constant 384 : i32
        %add3A_202 = arith.addi %mul3A_200, %add3A_201 : i32
        %dma_start3A_203 = arith.constant 0 : i32
        %dma_start3A_204 = arith.constant 0 : i32
        %dma_start3A_205 = arith.constant 384 : i32
        %dma_start3A_206 = arith.constant 0 : i32
        %dma_start3A_207 = tpu.memref_slice %arg8[%dma_start3A_203, %dma_start3A_205, %dma_start3A_206] : memref<2x768x64xf32, #tpu.memory_space<vmem>> -> memref<1x128x64xf32, #tpu.memory_space<vmem>>
        %dma_start3A_208 = tpu.memref_squeeze %dma_start3A_207 : memref<1x128x64xf32, #tpu.memory_space<vmem>> -> memref<128x64xf32, #tpu.memory_space<vmem>>
        %dma_start3A_209 = tpu.memref_slice %arg7[%add3A_202] : memref<1536xi32, #tpu.memory_space<vmem>> -> memref<128xi32, #tpu.memory_space<vmem>>
        %dma_start3A_210 = arith.constant 0 : i32
        %dma_start3A_211 = arith.constant 0 : i32
        %dma_start3A_212 = tpu.memref_slice %arg4[%select_n3A, %dma_start3A_210, %dma_start3A_211] : memref<26x100000x64xf32, #tpu.memory_space<hbm>> -> memref<1x100000x64xf32, #tpu.memory_space<hbm>>
        %dma_start3A_213 = tpu.memref_squeeze %dma_start3A_212 : memref<1x100000x64xf32, #tpu.memory_space<hbm>> -> memref<100000x64xf32, #tpu.memory_space<hbm>>
        %dma_start3A_214 = arith.constant 0 : i32
        %dma_start3A_215 = arith.constant 0 : i32
        %dma_start3A_216 = tpu.memref_slice %dma_start3A_213[%dma_start3A_214, %dma_start3A_215] : memref<100000x64xf32, #tpu.memory_space<hbm>> -> memref<100000x64xf32, #tpu.memory_space<hbm>>
        %dma_start3A_217 = tpu.memref_slice %arg10[%dma_start3A_204] : memref<2x!tpu.dma_semaphore, #tpu.memory_space<semaphore_mem>> -> memref<1x!tpu.dma_semaphore, #tpu.memory_space<semaphore_mem>>
        %dma_start3A_218 = tpu.memref_squeeze %dma_start3A_217 : memref<1x!tpu.dma_semaphore, #tpu.memory_space<semaphore_mem>> -> memref<!tpu.dma_semaphore, #tpu.memory_space<semaphore_mem>>
        tpu.enqueue_indirect_dma source(%dma_start3A_216 : memref<100000x64xf32, #tpu.memory_space<hbm>>) target(%dma_start3A_208 : memref<128x64xf32, #tpu.memory_space<vmem>>) offsets(%dma_start3A_209 : memref<128xi32, #tpu.memory_space<vmem>>) semaphore(%dma_start3A_218 : memref<!tpu.dma_semaphore, #tpu.memory_space<semaphore_mem>>)
        %mul3A_219 = arith.constant 0 : i32
        %mul3A_220 = arith.constant 768 : i32
        %mul3A_221 = arith.muli %mul3A_219, %mul3A_220 : i32
        %add3A_222 = arith.constant 512 : i32
        %add3A_223 = arith.addi %mul3A_221, %add3A_222 : i32
        %dma_start3A_224 = arith.constant 0 : i32
        %dma_start3A_225 = arith.constant 0 : i32
        %dma_start3A_226 = arith.constant 512 : i32
        %dma_start3A_227 = arith.constant 0 : i32
        %dma_start3A_228 = tpu.memref_slice %arg8[%dma_start3A_224, %dma_start3A_226, %dma_start3A_227] : memref<2x768x64xf32, #tpu.memory_space<vmem>> -> memref<1x128x64xf32, #tpu.memory_space<vmem>>
        %dma_start3A_229 = tpu.memref_squeeze %dma_start3A_228 : memref<1x128x64xf32, #tpu.memory_space<vmem>> -> memref<128x64xf32, #tpu.memory_space<vmem>>
        %dma_start3A_230 = tpu.memref_slice %arg7[%add3A_223] : memref<1536xi32, #tpu.memory_space<vmem>> -> memref<128xi32, #tpu.memory_space<vmem>>
        %dma_start3A_231 = arith.constant 0 : i32
        %dma_start3A_232 = arith.constant 0 : i32
        %dma_start3A_233 = tpu.memref_slice %arg4[%select_n3A, %dma_start3A_231, %dma_start3A_232] : memref<26x100000x64xf32, #tpu.memory_space<hbm>> -> memref<1x100000x64xf32, #tpu.memory_space<hbm>>
        %dma_start3A_234 = tpu.memref_squeeze %dma_start3A_233 : memref<1x100000x64xf32, #tpu.memory_space<hbm>> -> memref<100000x64xf32, #tpu.memory_space<hbm>>
        %dma_start3A_235 = arith.constant 0 : i32
        %dma_start3A_236 = arith.constant 0 : i32
        %dma_start3A_237 = tpu.memref_slice %dma_start3A_234[%dma_start3A_235, %dma_start3A_236] : memref<100000x64xf32, #tpu.memory_space<hbm>> -> memref<100000x64xf32, #tpu.memory_space<hbm>>
        %dma_start3A_238 = tpu.memref_slice %arg10[%dma_start3A_225] : memref<2x!tpu.dma_semaphore, #tpu.memory_space<semaphore_mem>> -> memref<1x!tpu.dma_semaphore, #tpu.memory_space<semaphore_mem>>
        %dma_start3A_239 = tpu.memref_squeeze %dma_start3A_238 : memref<1x!tpu.dma_semaphore, #tpu.memory_space<semaphore_mem>> -> memref<!tpu.dma_semaphore, #tpu.memory_space<semaphore_mem>>
        tpu.enqueue_indirect_dma source(%dma_start3A_237 : memref<100000x64xf32, #tpu.memory_space<hbm>>) target(%dma_start3A_229 : memref<128x64xf32, #tpu.memory_space<vmem>>) offsets(%dma_start3A_230 : memref<128xi32, #tpu.memory_space<vmem>>) semaphore(%dma_start3A_239 : memref<!tpu.dma_semaphore, #tpu.memory_space<semaphore_mem>>)
        %mul3A_240 = arith.constant 0 : i32
        %mul3A_241 = arith.constant 768 : i32
        %mul3A_242 = arith.muli %mul3A_240, %mul3A_241 : i32
        %add3A_243 = arith.constant 640 : i32
        %add3A_244 = arith.addi %mul3A_242, %add3A_243 : i32
        %dma_start3A_245 = arith.constant 0 : i32
        %dma_start3A_246 = arith.constant 0 : i32
        %dma_start3A_247 = arith.constant 640 : i32
        %dma_start3A_248 = arith.constant 0 : i32
        %dma_start3A_249 = tpu.memref_slice %arg8[%dma_start3A_245, %dma_start3A_247, %dma_start3A_248] : memref<2x768x64xf32, #tpu.memory_space<vmem>> -> memref<1x128x64xf32, #tpu.memory_space<vmem>>
        %dma_start3A_250 = tpu.memref_squeeze %dma_start3A_249 : memref<1x128x64xf32, #tpu.memory_space<vmem>> -> memref<128x64xf32, #tpu.memory_space<vmem>>
        %dma_start3A_251 = tpu.memref_slice %arg7[%add3A_244] : memref<1536xi32, #tpu.memory_space<vmem>> -> memref<128xi32, #tpu.memory_space<vmem>>
        %dma_start3A_252 = arith.constant 0 : i32
        %dma_start3A_253 = arith.constant 0 : i32
        %dma_start3A_254 = tpu.memref_slice %arg4[%select_n3A, %dma_start3A_252, %dma_start3A_253] : memref<26x100000x64xf32, #tpu.memory_space<hbm>> -> memref<1x100000x64xf32, #tpu.memory_space<hbm>>
        %dma_start3A_255 = tpu.memref_squeeze %dma_start3A_254 : memref<1x100000x64xf32, #tpu.memory_space<hbm>> -> memref<100000x64xf32, #tpu.memory_space<hbm>>
        %dma_start3A_256 = arith.constant 0 : i32
        %dma_start3A_257 = arith.constant 0 : i32
        %dma_start3A_258 = tpu.memref_slice %dma_start3A_255[%dma_start3A_256, %dma_start3A_257] : memref<100000x64xf32, #tpu.memory_space<hbm>> -> memref<100000x64xf32, #tpu.memory_space<hbm>>
        %dma_start3A_259 = tpu.memref_slice %arg10[%dma_start3A_246] : memref<2x!tpu.dma_semaphore, #tpu.memory_space<semaphore_mem>> -> memref<1x!tpu.dma_semaphore, #tpu.memory_space<semaphore_mem>>
        %dma_start3A_260 = tpu.memref_squeeze %dma_start3A_259 : memref<1x!tpu.dma_semaphore, #tpu.memory_space<semaphore_mem>> -> memref<!tpu.dma_semaphore, #tpu.memory_space<semaphore_mem>>
        tpu.enqueue_indirect_dma source(%dma_start3A_258 : memref<100000x64xf32, #tpu.memory_space<hbm>>) target(%dma_start3A_250 : memref<128x64xf32, #tpu.memory_space<vmem>>) offsets(%dma_start3A_251 : memref<128xi32, #tpu.memory_space<vmem>>) semaphore(%dma_start3A_260 : memref<!tpu.dma_semaphore, #tpu.memory_space<semaphore_mem>>)
      } else {
      }
      %broadcast_in_dim3A = arith.constant 0.000000e+00 : f32
      %broadcast_in_dim3A_116 = vector.broadcast %broadcast_in_dim3A : f32 to vector<16xf32>
      %while3A = arith.constant 0 : i32
      %while3A_117 = arith.constant 0 : i32
      %while3A_118 = arith.subi %select_n3A_113, %while3A : i32
      %while3A_119 = arith.addi %while3A, %while3A_118 : i32
      %while3A_120 = arith.constant 1 : i32
      %while3A_121 = arith.divsi %while3A_118, %while3A_120 : i32
      %while3A_122 = arith.muli %while3A_121, %while3A_120 : i32
      %while3A_123 = arith.addi %while3A, %while3A_122 : i32
      %while3A_124 = arith.constant 1 : i32
      %while3A_125:5 = scf.for %while3A_129 = %while3A to %while3A_123 step %while3A_124 iter_args(%while3A_130 = %while3A_117, %while3A_131 = %broadcast_in_dim3A_116, %while3A_132 = %broadcast_in_dim3A_116, %while3A_133 = %broadcast_in_dim3A_116, %while3A_134 = %broadcast_in_dim3A_116) -> (i32, vector<16xf32>, vector<16xf32>, vector<16xf32>, vector<16xf32>)  : i32 {
        %rem3A_135 = arith.constant 2 : i32
        %rem3A_136 = arith.remsi %while3A_129, %rem3A_135 : i32
        %add3A_137 = arith.constant 1 : i32
        %add3A_138 = arith.addi %while3A_129, %add3A_137 : i32
        %lt3A_139 = arith.cmpi slt, %add3A_138, %select_n3A_113 : i32
        %convert_element_type3A_140 = arith.extui %lt3A_139 : i1 to i32
        %cond3A_141 = arith.constant 0 : i32
        %cond3A_142 = arith.cmpi ne, %convert_element_type3A_140, %cond3A_141 : i32
        scf.if %cond3A_142 {
          %add3A_203 = arith.constant 1 : i32
          %add3A_204 = arith.addi %while3A_129, %add3A_203 : i32
          %sub3A_205 = arith.constant 1 : i32
          %sub3A_206 = arith.subi %sub3A_205, %rem3A_136 : i32
          %mul3A_207 = arith.constant 768 : i32
          %mul3A_208 = arith.muli %add3A_204, %mul3A_207 : i32
          %add3A_209 = arith.addi %mul3A_86, %mul3A_208 : i32
          %mul3A_210 = arith.constant 768 : i32
          %mul3A_211 = arith.muli %sub3A_206, %mul3A_210 : i32
          "tpu.region"() ({
            %run_scoped3A = tpu.sem_alloc : memref<!tpu.dma_semaphore, #tpu.memory_space<semaphore_mem>>
            %dma_start3A_319 = tpu.memref_slice %arg7[%mul3A_211] : memref<1536xi32, #tpu.memory_space<vmem>> -> memref<768xi32, #tpu.memory_space<vmem>>
            %dma_start3A_320 = tpu.memref_slice %arg2[%add3A_209] : memref<2130696xi32, #tpu.memory_space<hbm>> -> memref<768xi32, #tpu.memory_space<hbm>>
            %dma_start3A_321 = tpu.memref_slice %arg7[%mul3A_211] : memref<1536xi32, #tpu.memory_space<vmem>> -> memref<768xi32, #tpu.memory_space<vmem>>
            %dma_start3A_322 = tpu.memref_slice %arg2[%add3A_209] : memref<2130696xi32, #tpu.memory_space<hbm>> -> memref<768xi32, #tpu.memory_space<hbm>>
            tpu.enqueue_dma source(%dma_start3A_322 : memref<768xi32, #tpu.memory_space<hbm>>) target(%dma_start3A_321 : memref<768xi32, #tpu.memory_space<vmem>>) target_semaphore(%run_scoped3A : memref<!tpu.dma_semaphore, #tpu.memory_space<semaphore_mem>>)
            %dma_wait3A_323 = tpu.memref_slice %arg7[%mul3A_211] : memref<1536xi32, #tpu.memory_space<vmem>> -> memref<768xi32, #tpu.memory_space<vmem>>
            %dma_wait3A_324 = tpu.memref_slice %arg2[%add3A_209] : memref<2130696xi32, #tpu.memory_space<hbm>> -> memref<768xi32, #tpu.memory_space<hbm>>
            %dma_wait3A_325 = tpu.memref_slice %arg7[%mul3A_211] : memref<1536xi32, #tpu.memory_space<vmem>> -> memref<768xi32, #tpu.memory_space<vmem>>
            %dma_wait3A_326 = tpu.memref_slice %arg2[%add3A_209] : memref<2130696xi32, #tpu.memory_space<hbm>> -> memref<768xi32, #tpu.memory_space<hbm>>
            tpu.wait_dma2 semaphore(%run_scoped3A : memref<!tpu.dma_semaphore, #tpu.memory_space<semaphore_mem>>) src(%dma_wait3A_326 : memref<768xi32, #tpu.memory_space<hbm>>) dst(%dma_wait3A_325 : memref<768xi32, #tpu.memory_space<vmem>>)
            tpu.yield
          }) : () -> ()
          %mul3A_212 = arith.constant 768 : i32
          %mul3A_213 = arith.muli %sub3A_206, %mul3A_212 : i32
          %add3A_214 = arith.constant 0 : i32
          %add3A_215 = arith.addi %mul3A_213, %add3A_214 : i32
          %dma_start3A = arith.constant 0 : i32
          %dma_start3A_216 = arith.constant 0 : i32
          %dma_start3A_217 = tpu.memref_slice %arg8[%sub3A_206, %dma_start3A, %dma_start3A_216] : memref<2x768x64xf32, #tpu.memory_space<vmem>> -> memref<1x128x64xf32, #tpu.memory_space<vmem>>
          %dma_start3A_218 = tpu.memref_squeeze %dma_start3A_217 : memref<1x128x64xf32, #tpu.memory_space<vmem>> -> memref<128x64xf32, #tpu.memory_space<vmem>>
          %dma_start3A_219 = tpu.memref_slice %arg7[%add3A_215] : memref<1536xi32, #tpu.memory_space<vmem>> -> memref<128xi32, #tpu.memory_space<vmem>>
          %dma_start3A_220 = arith.constant 0 : i32
          %dma_start3A_221 = arith.constant 0 : i32
          %dma_start3A_222 = tpu.memref_slice %arg4[%select_n3A, %dma_start3A_220, %dma_start3A_221] : memref<26x100000x64xf32, #tpu.memory_space<hbm>> -> memref<1x100000x64xf32, #tpu.memory_space<hbm>>
          %dma_start3A_223 = tpu.memref_squeeze %dma_start3A_222 : memref<1x100000x64xf32, #tpu.memory_space<hbm>> -> memref<100000x64xf32, #tpu.memory_space<hbm>>
          %dma_start3A_224 = arith.constant 0 : i32
          %dma_start3A_225 = arith.constant 0 : i32
          %dma_start3A_226 = tpu.memref_slice %dma_start3A_223[%dma_start3A_224, %dma_start3A_225] : memref<100000x64xf32, #tpu.memory_space<hbm>> -> memref<100000x64xf32, #tpu.memory_space<hbm>>
          %dma_start3A_227 = tpu.memref_slice %arg10[%sub3A_206] : memref<2x!tpu.dma_semaphore, #tpu.memory_space<semaphore_mem>> -> memref<1x!tpu.dma_semaphore, #tpu.memory_space<semaphore_mem>>
          %dma_start3A_228 = tpu.memref_squeeze %dma_start3A_227 : memref<1x!tpu.dma_semaphore, #tpu.memory_space<semaphore_mem>> -> memref<!tpu.dma_semaphore, #tpu.memory_space<semaphore_mem>>
          tpu.enqueue_indirect_dma source(%dma_start3A_226 : memref<100000x64xf32, #tpu.memory_space<hbm>>) target(%dma_start3A_218 : memref<128x64xf32, #tpu.memory_space<vmem>>) offsets(%dma_start3A_219 : memref<128xi32, #tpu.memory_space<vmem>>) semaphore(%dma_start3A_228 : memref<!tpu.dma_semaphore, #tpu.memory_space<semaphore_mem>>)
          %mul3A_229 = arith.constant 768 : i32
          %mul3A_230 = arith.muli %sub3A_206, %mul3A_229 : i32
          %add3A_231 = arith.constant 128 : i32
          %add3A_232 = arith.addi %mul3A_230, %add3A_231 : i32
          %dma_start3A_233 = arith.constant 128 : i32
          %dma_start3A_234 = arith.constant 0 : i32
          %dma_start3A_235 = tpu.memref_slice %arg8[%sub3A_206, %dma_start3A_233, %dma_start3A_234] : memref<2x768x64xf32, #tpu.memory_space<vmem>> -> memref<1x128x64xf32, #tpu.memory_space<vmem>>
          %dma_start3A_236 = tpu.memref_squeeze %dma_start3A_235 : memref<1x128x64xf32, #tpu.memory_space<vmem>> -> memref<128x64xf32, #tpu.memory_space<vmem>>
          %dma_start3A_237 = tpu.memref_slice %arg7[%add3A_232] : memref<1536xi32, #tpu.memory_space<vmem>> -> memref<128xi32, #tpu.memory_space<vmem>>
          %dma_start3A_238 = arith.constant 0 : i32
          %dma_start3A_239 = arith.constant 0 : i32
          %dma_start3A_240 = tpu.memref_slice %arg4[%select_n3A, %dma_start3A_238, %dma_start3A_239] : memref<26x100000x64xf32, #tpu.memory_space<hbm>> -> memref<1x100000x64xf32, #tpu.memory_space<hbm>>
          %dma_start3A_241 = tpu.memref_squeeze %dma_start3A_240 : memref<1x100000x64xf32, #tpu.memory_space<hbm>> -> memref<100000x64xf32, #tpu.memory_space<hbm>>
          %dma_start3A_242 = arith.constant 0 : i32
          %dma_start3A_243 = arith.constant 0 : i32
          %dma_start3A_244 = tpu.memref_slice %dma_start3A_241[%dma_start3A_242, %dma_start3A_243] : memref<100000x64xf32, #tpu.memory_space<hbm>> -> memref<100000x64xf32, #tpu.memory_space<hbm>>
          %dma_start3A_245 = tpu.memref_slice %arg10[%sub3A_206] : memref<2x!tpu.dma_semaphore, #tpu.memory_space<semaphore_mem>> -> memref<1x!tpu.dma_semaphore, #tpu.memory_space<semaphore_mem>>
          %dma_start3A_246 = tpu.memref_squeeze %dma_start3A_245 : memref<1x!tpu.dma_semaphore, #tpu.memory_space<semaphore_mem>> -> memref<!tpu.dma_semaphore, #tpu.memory_space<semaphore_mem>>
          tpu.enqueue_indirect_dma source(%dma_start3A_244 : memref<100000x64xf32, #tpu.memory_space<hbm>>) target(%dma_start3A_236 : memref<128x64xf32, #tpu.memory_space<vmem>>) offsets(%dma_start3A_237 : memref<128xi32, #tpu.memory_space<vmem>>) semaphore(%dma_start3A_246 : memref<!tpu.dma_semaphore, #tpu.memory_space<semaphore_mem>>)
          %mul3A_247 = arith.constant 768 : i32
          %mul3A_248 = arith.muli %sub3A_206, %mul3A_247 : i32
          %add3A_249 = arith.constant 256 : i32
          %add3A_250 = arith.addi %mul3A_248, %add3A_249 : i32
          %dma_start3A_251 = arith.constant 256 : i32
          %dma_start3A_252 = arith.constant 0 : i32
          %dma_start3A_253 = tpu.memref_slice %arg8[%sub3A_206, %dma_start3A_251, %dma_start3A_252] : memref<2x768x64xf32, #tpu.memory_space<vmem>> -> memref<1x128x64xf32, #tpu.memory_space<vmem>>
          %dma_start3A_254 = tpu.memref_squeeze %dma_start3A_253 : memref<1x128x64xf32, #tpu.memory_space<vmem>> -> memref<128x64xf32, #tpu.memory_space<vmem>>
          %dma_start3A_255 = tpu.memref_slice %arg7[%add3A_250] : memref<1536xi32, #tpu.memory_space<vmem>> -> memref<128xi32, #tpu.memory_space<vmem>>
          %dma_start3A_256 = arith.constant 0 : i32
          %dma_start3A_257 = arith.constant 0 : i32
          %dma_start3A_258 = tpu.memref_slice %arg4[%select_n3A, %dma_start3A_256, %dma_start3A_257] : memref<26x100000x64xf32, #tpu.memory_space<hbm>> -> memref<1x100000x64xf32, #tpu.memory_space<hbm>>
          %dma_start3A_259 = tpu.memref_squeeze %dma_start3A_258 : memref<1x100000x64xf32, #tpu.memory_space<hbm>> -> memref<100000x64xf32, #tpu.memory_space<hbm>>
          %dma_start3A_260 = arith.constant 0 : i32
          %dma_start3A_261 = arith.constant 0 : i32
          %dma_start3A_262 = tpu.memref_slice %dma_start3A_259[%dma_start3A_260, %dma_start3A_261] : memref<100000x64xf32, #tpu.memory_space<hbm>> -> memref<100000x64xf32, #tpu.memory_space<hbm>>
          %dma_start3A_263 = tpu.memref_slice %arg10[%sub3A_206] : memref<2x!tpu.dma_semaphore, #tpu.memory_space<semaphore_mem>> -> memref<1x!tpu.dma_semaphore, #tpu.memory_space<semaphore_mem>>
          %dma_start3A_264 = tpu.memref_squeeze %dma_start3A_263 : memref<1x!tpu.dma_semaphore, #tpu.memory_space<semaphore_mem>> -> memref<!tpu.dma_semaphore, #tpu.memory_space<semaphore_mem>>
          tpu.enqueue_indirect_dma source(%dma_start3A_262 : memref<100000x64xf32, #tpu.memory_space<hbm>>) target(%dma_start3A_254 : memref<128x64xf32, #tpu.memory_space<vmem>>) offsets(%dma_start3A_255 : memref<128xi32, #tpu.memory_space<vmem>>) semaphore(%dma_start3A_264 : memref<!tpu.dma_semaphore, #tpu.memory_space<semaphore_mem>>)
          %mul3A_265 = arith.constant 768 : i32
          %mul3A_266 = arith.muli %sub3A_206, %mul3A_265 : i32
          %add3A_267 = arith.constant 384 : i32
          %add3A_268 = arith.addi %mul3A_266, %add3A_267 : i32
          %dma_start3A_269 = arith.constant 384 : i32
          %dma_start3A_270 = arith.constant 0 : i32
          %dma_start3A_271 = tpu.memref_slice %arg8[%sub3A_206, %dma_start3A_269, %dma_start3A_270] : memref<2x768x64xf32, #tpu.memory_space<vmem>> -> memref<1x128x64xf32, #tpu.memory_space<vmem>>
          %dma_start3A_272 = tpu.memref_squeeze %dma_start3A_271 : memref<1x128x64xf32, #tpu.memory_space<vmem>> -> memref<128x64xf32, #tpu.memory_space<vmem>>
          %dma_start3A_273 = tpu.memref_slice %arg7[%add3A_268] : memref<1536xi32, #tpu.memory_space<vmem>> -> memref<128xi32, #tpu.memory_space<vmem>>
          %dma_start3A_274 = arith.constant 0 : i32
          %dma_start3A_275 = arith.constant 0 : i32
          %dma_start3A_276 = tpu.memref_slice %arg4[%select_n3A, %dma_start3A_274, %dma_start3A_275] : memref<26x100000x64xf32, #tpu.memory_space<hbm>> -> memref<1x100000x64xf32, #tpu.memory_space<hbm>>
          %dma_start3A_277 = tpu.memref_squeeze %dma_start3A_276 : memref<1x100000x64xf32, #tpu.memory_space<hbm>> -> memref<100000x64xf32, #tpu.memory_space<hbm>>
          %dma_start3A_278 = arith.constant 0 : i32
          %dma_start3A_279 = arith.constant 0 : i32
          %dma_start3A_280 = tpu.memref_slice %dma_start3A_277[%dma_start3A_278, %dma_start3A_279] : memref<100000x64xf32, #tpu.memory_space<hbm>> -> memref<100000x64xf32, #tpu.memory_space<hbm>>
          %dma_start3A_281 = tpu.memref_slice %arg10[%sub3A_206] : memref<2x!tpu.dma_semaphore, #tpu.memory_space<semaphore_mem>> -> memref<1x!tpu.dma_semaphore, #tpu.memory_space<semaphore_mem>>
          %dma_start3A_282 = tpu.memref_squeeze %dma_start3A_281 : memref<1x!tpu.dma_semaphore, #tpu.memory_space<semaphore_mem>> -> memref<!tpu.dma_semaphore, #tpu.memory_space<semaphore_mem>>
          tpu.enqueue_indirect_dma source(%dma_start3A_280 : memref<100000x64xf32, #tpu.memory_space<hbm>>) target(%dma_start3A_272 : memref<128x64xf32, #tpu.memory_space<vmem>>) offsets(%dma_start3A_273 : memref<128xi32, #tpu.memory_space<vmem>>) semaphore(%dma_start3A_282 : memref<!tpu.dma_semaphore, #tpu.memory_space<semaphore_mem>>)
          %mul3A_283 = arith.constant 768 : i32
          %mul3A_284 = arith.muli %sub3A_206, %mul3A_283 : i32
          %add3A_285 = arith.constant 512 : i32
          %add3A_286 = arith.addi %mul3A_284, %add3A_285 : i32
          %dma_start3A_287 = arith.constant 512 : i32
          %dma_start3A_288 = arith.constant 0 : i32
          %dma_start3A_289 = tpu.memref_slice %arg8[%sub3A_206, %dma_start3A_287, %dma_start3A_288] : memref<2x768x64xf32, #tpu.memory_space<vmem>> -> memref<1x128x64xf32, #tpu.memory_space<vmem>>
          %dma_start3A_290 = tpu.memref_squeeze %dma_start3A_289 : memref<1x128x64xf32, #tpu.memory_space<vmem>> -> memref<128x64xf32, #tpu.memory_space<vmem>>
          %dma_start3A_291 = tpu.memref_slice %arg7[%add3A_286] : memref<1536xi32, #tpu.memory_space<vmem>> -> memref<128xi32, #tpu.memory_space<vmem>>
          %dma_start3A_292 = arith.constant 0 : i32
          %dma_start3A_293 = arith.constant 0 : i32
          %dma_start3A_294 = tpu.memref_slice %arg4[%select_n3A, %dma_start3A_292, %dma_start3A_293] : memref<26x100000x64xf32, #tpu.memory_space<hbm>> -> memref<1x100000x64xf32, #tpu.memory_space<hbm>>
          %dma_start3A_295 = tpu.memref_squeeze %dma_start3A_294 : memref<1x100000x64xf32, #tpu.memory_space<hbm>> -> memref<100000x64xf32, #tpu.memory_space<hbm>>
          %dma_start3A_296 = arith.constant 0 : i32
          %dma_start3A_297 = arith.constant 0 : i32
          %dma_start3A_298 = tpu.memref_slice %dma_start3A_295[%dma_start3A_296, %dma_start3A_297] : memref<100000x64xf32, #tpu.memory_space<hbm>> -> memref<100000x64xf32, #tpu.memory_space<hbm>>
          %dma_start3A_299 = tpu.memref_slice %arg10[%sub3A_206] : memref<2x!tpu.dma_semaphore, #tpu.memory_space<semaphore_mem>> -> memref<1x!tpu.dma_semaphore, #tpu.memory_space<semaphore_mem>>
          %dma_start3A_300 = tpu.memref_squeeze %dma_start3A_299 : memref<1x!tpu.dma_semaphore, #tpu.memory_space<semaphore_mem>> -> memref<!tpu.dma_semaphore, #tpu.memory_space<semaphore_mem>>
          tpu.enqueue_indirect_dma source(%dma_start3A_298 : memref<100000x64xf32, #tpu.memory_space<hbm>>) target(%dma_start3A_290 : memref<128x64xf32, #tpu.memory_space<vmem>>) offsets(%dma_start3A_291 : memref<128xi32, #tpu.memory_space<vmem>>) semaphore(%dma_start3A_300 : memref<!tpu.dma_semaphore, #tpu.memory_space<semaphore_mem>>)
          %mul3A_301 = arith.constant 768 : i32
          %mul3A_302 = arith.muli %sub3A_206, %mul3A_301 : i32
          %add3A_303 = arith.constant 640 : i32
          %add3A_304 = arith.addi %mul3A_302, %add3A_303 : i32
          %dma_start3A_305 = arith.constant 640 : i32
          %dma_start3A_306 = arith.constant 0 : i32
          %dma_start3A_307 = tpu.memref_slice %arg8[%sub3A_206, %dma_start3A_305, %dma_start3A_306] : memref<2x768x64xf32, #tpu.memory_space<vmem>> -> memref<1x128x64xf32, #tpu.memory_space<vmem>>
          %dma_start3A_308 = tpu.memref_squeeze %dma_start3A_307 : memref<1x128x64xf32, #tpu.memory_space<vmem>> -> memref<128x64xf32, #tpu.memory_space<vmem>>
          %dma_start3A_309 = tpu.memref_slice %arg7[%add3A_304] : memref<1536xi32, #tpu.memory_space<vmem>> -> memref<128xi32, #tpu.memory_space<vmem>>
          %dma_start3A_310 = arith.constant 0 : i32
          %dma_start3A_311 = arith.constant 0 : i32
          %dma_start3A_312 = tpu.memref_slice %arg4[%select_n3A, %dma_start3A_310, %dma_start3A_311] : memref<26x100000x64xf32, #tpu.memory_space<hbm>> -> memref<1x100000x64xf32, #tpu.memory_space<hbm>>
          %dma_start3A_313 = tpu.memref_squeeze %dma_start3A_312 : memref<1x100000x64xf32, #tpu.memory_space<hbm>> -> memref<100000x64xf32, #tpu.memory_space<hbm>>
          %dma_start3A_314 = arith.constant 0 : i32
          %dma_start3A_315 = arith.constant 0 : i32
          %dma_start3A_316 = tpu.memref_slice %dma_start3A_313[%dma_start3A_314, %dma_start3A_315] : memref<100000x64xf32, #tpu.memory_space<hbm>> -> memref<100000x64xf32, #tpu.memory_space<hbm>>
          %dma_start3A_317 = tpu.memref_slice %arg10[%sub3A_206] : memref<2x!tpu.dma_semaphore, #tpu.memory_space<semaphore_mem>> -> memref<1x!tpu.dma_semaphore, #tpu.memory_space<semaphore_mem>>
          %dma_start3A_318 = tpu.memref_squeeze %dma_start3A_317 : memref<1x!tpu.dma_semaphore, #tpu.memory_space<semaphore_mem>> -> memref<!tpu.dma_semaphore, #tpu.memory_space<semaphore_mem>>
          tpu.enqueue_indirect_dma source(%dma_start3A_316 : memref<100000x64xf32, #tpu.memory_space<hbm>>) target(%dma_start3A_308 : memref<128x64xf32, #tpu.memory_space<vmem>>) offsets(%dma_start3A_309 : memref<128xi32, #tpu.memory_space<vmem>>) semaphore(%dma_start3A_318 : memref<!tpu.dma_semaphore, #tpu.memory_space<semaphore_mem>>)
        } else {
        }
        %dma_wait3A = arith.constant 0 : i32
        %dma_wait3A_143 = arith.constant 0 : i32
        %dma_wait3A_144 = arith.constant 0 : i32
        %dma_wait3A_145 = tpu.memref_slice %arg8[%rem3A_136, %dma_wait3A_143, %dma_wait3A_144] : memref<2x768x64xf32, #tpu.memory_space<vmem>> -> memref<1x768x64xf32, #tpu.memory_space<vmem>>
        %dma_wait3A_146 = tpu.memref_squeeze %dma_wait3A_145 : memref<1x768x64xf32, #tpu.memory_space<vmem>> -> memref<768x64xf32, #tpu.memory_space<vmem>>
        %dma_wait3A_147 = arith.constant 0 : i32
        %dma_wait3A_148 = arith.constant 0 : i32
        %dma_wait3A_149 = tpu.memref_slice %arg4[%dma_wait3A, %dma_wait3A_147, %dma_wait3A_148] : memref<26x100000x64xf32, #tpu.memory_space<hbm>> -> memref<1x100000x64xf32, #tpu.memory_space<hbm>>
        %dma_wait3A_150 = tpu.memref_squeeze %dma_wait3A_149 : memref<1x100000x64xf32, #tpu.memory_space<hbm>> -> memref<100000x64xf32, #tpu.memory_space<hbm>>
        %dma_wait3A_151 = arith.constant 0 : i32
        %dma_wait3A_152 = arith.constant 0 : i32
        %dma_wait3A_153 = tpu.memref_slice %dma_wait3A_150[%dma_wait3A_151, %dma_wait3A_152] : memref<100000x64xf32, #tpu.memory_space<hbm>> -> memref<768x64xf32, #tpu.memory_space<hbm>>
        %dma_wait3A_154 = tpu.memref_slice %arg10[%rem3A_136] : memref<2x!tpu.dma_semaphore, #tpu.memory_space<semaphore_mem>> -> memref<1x!tpu.dma_semaphore, #tpu.memory_space<semaphore_mem>>
        %dma_wait3A_155 = tpu.memref_squeeze %dma_wait3A_154 : memref<1x!tpu.dma_semaphore, #tpu.memory_space<semaphore_mem>> -> memref<!tpu.dma_semaphore, #tpu.memory_space<semaphore_mem>>
        %dma_wait3A_156 = arith.constant 0 : i32
        %dma_wait3A_157 = arith.constant 0 : i32
        %dma_wait3A_158 = tpu.memref_slice %arg8[%rem3A_136, %dma_wait3A_156, %dma_wait3A_157] : memref<2x768x64xf32, #tpu.memory_space<vmem>> -> memref<1x768x64xf32, #tpu.memory_space<vmem>>
        %dma_wait3A_159 = tpu.memref_squeeze %dma_wait3A_158 : memref<1x768x64xf32, #tpu.memory_space<vmem>> -> memref<768x64xf32, #tpu.memory_space<vmem>>
        %dma_wait3A_160 = arith.constant 0 : i32
        %dma_wait3A_161 = arith.constant 0 : i32
        %dma_wait3A_162 = tpu.memref_slice %arg4[%dma_wait3A, %dma_wait3A_160, %dma_wait3A_161] : memref<26x100000x64xf32, #tpu.memory_space<hbm>> -> memref<1x100000x64xf32, #tpu.memory_space<hbm>>
        %dma_wait3A_163 = tpu.memref_squeeze %dma_wait3A_162 : memref<1x100000x64xf32, #tpu.memory_space<hbm>> -> memref<100000x64xf32, #tpu.memory_space<hbm>>
        %dma_wait3A_164 = arith.constant 0 : i32
        %dma_wait3A_165 = arith.constant 0 : i32
        %dma_wait3A_166 = tpu.memref_slice %dma_wait3A_163[%dma_wait3A_164, %dma_wait3A_165] : memref<100000x64xf32, #tpu.memory_space<hbm>> -> memref<768x64xf32, #tpu.memory_space<hbm>>
        tpu.wait_dma2 semaphore(%dma_wait3A_155 : memref<!tpu.dma_semaphore, #tpu.memory_space<semaphore_mem>>) src(%dma_wait3A_166 : memref<768x64xf32, #tpu.memory_space<hbm>>) dst(%dma_wait3A_159 : memref<768x64xf32, #tpu.memory_space<vmem>>)
        %mul3A_167 = arith.constant 768 : i32
        %mul3A_168 = arith.muli %while3A_129, %mul3A_167 : i32
        %add3A_169 = arith.addi %mul3A_86, %mul3A_168 : i32
        %add3A_170 = arith.constant 768 : i32
        %add3A_171 = arith.addi %add3A_169, %add3A_170 : i32
        %scan3A_172 = arith.constant 256 : i32
        %scan3A_173 = arith.constant 0 : i32
        %scan3A_174 = arith.constant 9 : i32
        %scan3A_175 = arith.addi %scan3A_173, %scan3A_174 : i32
        %scan3A_176 = arith.constant 1 : i32
        %scan3A_177:2 = scf.for %scan3A_203 = %scan3A_173 to %scan3A_175 step %scan3A_176 iter_args(%scan3A_204 = %while3A_130, %scan3A_205 = %scan3A_172) -> (i32, i32)  : i32 {
          %add3A_206 = arith.addi %scan3A_204, %scan3A_205 : i32
          %jit3A_207 = arith.constant 2 : i32
          %div3A_208 = arith.divsi %add3A_206, %jit3A_207 : i32
          %sign3A_209 = arith.constant 0 : i32
          %sign3A_210 = arith.cmpi sgt, %add3A_206, %sign3A_209 : i32
          %sign3A_211 = arith.extui %sign3A_210 : i1 to i32
          %sign3A_212 = arith.constant 0 : i32
          %sign3A_213 = arith.cmpi slt, %add3A_206, %sign3A_212 : i32
          %sign3A_214 = arith.extui %sign3A_213 : i1 to i32
          %sign3A_215 = arith.subi %sign3A_211, %sign3A_214 : i32
          %sign3A_216 = arith.constant 0 : i32
          %sign3A_217 = arith.cmpi sgt, %jit3A_207, %sign3A_216 : i32
          %sign3A_218 = arith.extui %sign3A_217 : i1 to i32
          %sign3A_219 = arith.constant 0 : i32
          %sign3A_220 = arith.cmpi slt, %jit3A_207, %sign3A_219 : i32
          %sign3A_221 = arith.extui %sign3A_220 : i1 to i32
          %sign3A_222 = arith.subi %sign3A_218, %sign3A_221 : i32
          %ne3A_223 = arith.cmpi ne, %sign3A_215, %sign3A_222 : i32
          %rem3A_224 = arith.remsi %add3A_206, %jit3A_207 : i32
          %ne3A_225 = arith.constant 0 : i32
          %ne3A_226 = arith.cmpi ne, %rem3A_224, %ne3A_225 : i32
          %and3A_227 = arith.andi %ne3A_223, %ne3A_226 : i1
          %sub3A_228 = arith.constant 1 : i32
          %sub3A_229 = arith.subi %div3A_208, %sub3A_228 : i32
          %select_n3A_230 = arith.select %and3A_227, %sub3A_229, %div3A_208 : i32
          %get3A_231 = arith.index_cast %select_n3A_230 : i32 to index
          %get3A_232 = tpu.vector_load %arg6[%get3A_231] {strides = array<i32>} : memref<288xi32, #tpu.memory_space<vmem>>, vector<16xi32>,
          %get3A_233 = vector.shape_cast %get3A_232 : vector<16xi32> to vector<16xi32>
          %slice3A_234 = vector.extract_strided_slice %get3A_233 {offsets = [0], sizes = [1], strides = [1]} : vector<16xi32> to vector<1xi32>
          %squeeze3A_235 = vector.extract %slice3A_234[0] : i32 from vector<1xi32>
          %lt3A_236 = arith.cmpi slt, %squeeze3A_235, %add3A_171 : i32
          %add3A_237 = arith.constant 1 : i32
          %add3A_238 = arith.addi %select_n3A_230, %add3A_237 : i32
          %select_n3A_239 = arith.select %lt3A_236, %add3A_238, %scan3A_204 : i32
          %select_n3A_240 = arith.select %lt3A_236, %scan3A_205, %select_n3A_230 : i32
          scf.yield %select_n3A_239, %select_n3A_240 : i32, i32
        }
        %scan3A_178 = arith.constant 9 : i32
        %while3A_179 = arith.subi %scan3A_177#0, %while3A_130 : i32
        %while3A_180 = arith.addi %while3A_130, %while3A_179 : i32
        %while3A_181 = arith.constant 1 : i32
        %while3A_182 = arith.divsi %while3A_179, %while3A_181 : i32
        %while3A_183 = arith.muli %while3A_182, %while3A_181 : i32
        %while3A_184 = arith.addi %while3A_130, %while3A_183 : i32
        %while3A_185 = arith.constant 1 : i32
        %while3A_186:4 = scf.for %while3A_203 = %while3A_130 to %while3A_184 step %while3A_185 iter_args(%while3A_204 = %while3A_131, %while3A_205 = %while3A_132, %while3A_206 = %while3A_133, %while3A_207 = %while3A_134) -> (vector<16xf32>, vector<16xf32>, vector<16xf32>, vector<16xf32>)  : i32 {
          %get3A_208 = arith.index_cast %while3A_203 : i32 to index
          %get3A_209 = tpu.vector_load %arg6[%get3A_208] {strides = array<i32>} : memref<288xi32, #tpu.memory_space<vmem>>, vector<16xi32>,
          %get3A_210 = vector.shape_cast %get3A_209 : vector<16xi32> to vector<16xi32>
          %slice3A_211 = vector.extract_strided_slice %get3A_210 {offsets = [0], sizes = [1], strides = [1]} : vector<16xi32> to vector<1xi32>
          %squeeze3A_212 = vector.extract %slice3A_211[0] : i32 from vector<1xi32>
          %slice3A_213 = vector.extract_strided_slice %get3A_210 {offsets = [1], sizes = [1], strides = [1]} : vector<16xi32> to vector<1xi32>
          %squeeze3A_214 = vector.extract %slice3A_213[0] : i32 from vector<1xi32>
          %max3A_215 = arith.maxsi %squeeze3A_212, %add3A_169 : i32
          %min3A = arith.minsi %squeeze3A_214, %add3A_171 : i32
          %sub3A_216 = arith.subi %max3A_215, %add3A_169 : i32
          %sub3A_217 = arith.subi %min3A, %max3A_215 : i32
          %jit3A_218 = arith.constant 2 : i32
          %div3A_219 = arith.divsi %sub3A_217, %jit3A_218 : i32
          %sign3A_220 = arith.constant 0 : i32
          %sign3A_221 = arith.cmpi sgt, %sub3A_217, %sign3A_220 : i32
          %sign3A_222 = arith.extui %sign3A_221 : i1 to i32
          %sign3A_223 = arith.constant 0 : i32
          %sign3A_224 = arith.cmpi slt, %sub3A_217, %sign3A_223 : i32
          %sign3A_225 = arith.extui %sign3A_224 : i1 to i32
          %sign3A_226 = arith.subi %sign3A_222, %sign3A_225 : i32
          %sign3A_227 = arith.constant 0 : i32
          %sign3A_228 = arith.cmpi sgt, %jit3A_218, %sign3A_227 : i32
          %sign3A_229 = arith.extui %sign3A_228 : i1 to i32
          %sign3A_230 = arith.constant 0 : i32
          %sign3A_231 = arith.cmpi slt, %jit3A_218, %sign3A_230 : i32
          %sign3A_232 = arith.extui %sign3A_231 : i1 to i32
          %sign3A_233 = arith.subi %sign3A_229, %sign3A_232 : i32
          %ne3A_234 = arith.cmpi ne, %sign3A_226, %sign3A_233 : i32
          %rem3A_235 = arith.remsi %sub3A_217, %jit3A_218 : i32
          %ne3A_236 = arith.constant 0 : i32
          %ne3A_237 = arith.cmpi ne, %rem3A_235, %ne3A_236 : i32
          %and3A_238 = arith.andi %ne3A_234, %ne3A_237 : i1
          %sub3A_239 = arith.constant 1 : i32
          %sub3A_240 = arith.subi %div3A_219, %sub3A_239 : i32
          %select_n3A_241 = arith.select %and3A_238, %sub3A_240, %div3A_219 : i32
          %while3A_242 = arith.constant 0 : i32
          %while3A_243 = arith.subi %select_n3A_241, %while3A_242 : i32
          %while3A_244 = arith.addi %while3A_242, %while3A_243 : i32
          %while3A_245 = arith.constant 1 : i32
          %while3A_246 = arith.divsi %while3A_243, %while3A_245 : i32
          %while3A_247 = arith.muli %while3A_246, %while3A_245 : i32
          %while3A_248 = arith.addi %while3A_242, %while3A_247 : i32
          %while3A_249 = arith.constant 1 : i32
          %while3A_250:4 = scf.for %while3A_293 = %while3A_242 to %while3A_248 step %while3A_249 iter_args(%while3A_294 = %while3A_204, %while3A_295 = %while3A_205, %while3A_296 = %while3A_206, %while3A_297 = %while3A_207) -> (vector<16xf32>, vector<16xf32>, vector<16xf32>, vector<16xf32>)  : i32 {
            %mul3A_298 = arith.constant 2 : i32
            %mul3A_299 = arith.muli %mul3A_298, %while3A_293 : i32
            %add3A_300 = arith.addi %sub3A_216, %mul3A_299 : i32
            %get3A_301 = arith.index_cast %rem3A_136 : i32 to index
            %get3A_302 = arith.index_cast %add3A_300 : i32 to index
            %get3A_303 = arith.constant 0 : index
            %get3A_304 = tpu.vector_load %arg8[%get3A_301, %get3A_302, %get3A_303] {strides = array<i32>} : memref<2x768x64xf32, #tpu.memory_space<vmem>>, vector<1x1x16xf32>,
            %get3A_305 = vector.shape_cast %get3A_304 : vector<1x1x16xf32> to vector<16xf32>
            %add3A_306 = arith.constant 1 : i32
            %add3A_307 = arith.addi %add3A_300, %add3A_306 : i32
            %get3A_308 = arith.index_cast %rem3A_136 : i32 to index
            %get3A_309 = arith.index_cast %add3A_307 : i32 to index
            %get3A_310 = arith.constant 0 : index
            %get3A_311 = tpu.vector_load %arg8[%get3A_308, %get3A_309, %get3A_310] {strides = array<i32>} : memref<2x768x64xf32, #tpu.memory_space<vmem>>, vector<1x1x16xf32>,
            %get3A_312 = vector.shape_cast %get3A_311 : vector<1x1x16xf32> to vector<16xf32>
            %add3A_313 = arith.addf %get3A_305, %get3A_312 : vector<16xf32>
            %get3A_314 = arith.index_cast %rem3A_136 : i32 to index
            %get3A_315 = arith.index_cast %add3A_300 : i32 to index
            %get3A_316 = arith.constant 16 : index
            %get3A_317 = tpu.vector_load %arg8[%get3A_314, %get3A_315, %get3A_316] {strides = array<i32>} : memref<2x768x64xf32, #tpu.memory_space<vmem>>, vector<1x1x16xf32>,
            %get3A_318 = vector.shape_cast %get3A_317 : vector<1x1x16xf32> to vector<16xf32>
            %add3A_319 = arith.constant 1 : i32
            %add3A_320 = arith.addi %add3A_300, %add3A_319 : i32
            %get3A_321 = arith.index_cast %rem3A_136 : i32 to index
            %get3A_322 = arith.index_cast %add3A_320 : i32 to index
            %get3A_323 = arith.constant 16 : index
            %get3A_324 = tpu.vector_load %arg8[%get3A_321, %get3A_322, %get3A_323] {strides = array<i32>} : memref<2x768x64xf32, #tpu.memory_space<vmem>>, vector<1x1x16xf32>,
            %get3A_325 = vector.shape_cast %get3A_324 : vector<1x1x16xf32> to vector<16xf32>
            %add3A_326 = arith.addf %get3A_318, %get3A_325 : vector<16xf32>
            %get3A_327 = arith.index_cast %rem3A_136 : i32 to index
            %get3A_328 = arith.index_cast %add3A_300 : i32 to index
            %get3A_329 = arith.constant 32 : index
            %get3A_330 = tpu.vector_load %arg8[%get3A_327, %get3A_328, %get3A_329] {strides = array<i32>} : memref<2x768x64xf32, #tpu.memory_space<vmem>>, vector<1x1x16xf32>,
            %get3A_331 = vector.shape_cast %get3A_330 : vector<1x1x16xf32> to vector<16xf32>
            %add3A_332 = arith.constant 1 : i32
            %add3A_333 = arith.addi %add3A_300, %add3A_332 : i32
            %get3A_334 = arith.index_cast %rem3A_136 : i32 to index
            %get3A_335 = arith.index_cast %add3A_333 : i32 to index
            %get3A_336 = arith.constant 32 : index
            %get3A_337 = tpu.vector_load %arg8[%get3A_334, %get3A_335, %get3A_336] {strides = array<i32>} : memref<2x768x64xf32, #tpu.memory_space<vmem>>, vector<1x1x16xf32>,
            %get3A_338 = vector.shape_cast %get3A_337 : vector<1x1x16xf32> to vector<16xf32>
            %add3A_339 = arith.addf %get3A_331, %get3A_338 : vector<16xf32>
            %get3A_340 = arith.index_cast %rem3A_136 : i32 to index
            %get3A_341 = arith.index_cast %add3A_300 : i32 to index
            %get3A_342 = arith.constant 48 : index
            %get3A_343 = tpu.vector_load %arg8[%get3A_340, %get3A_341, %get3A_342] {strides = array<i32>} : memref<2x768x64xf32, #tpu.memory_space<vmem>>, vector<1x1x16xf32>,
            %get3A_344 = vector.shape_cast %get3A_343 : vector<1x1x16xf32> to vector<16xf32>
            %add3A_345 = arith.constant 1 : i32
            %add3A_346 = arith.addi %add3A_300, %add3A_345 : i32
            %get3A_347 = arith.index_cast %rem3A_136 : i32 to index
            %get3A_348 = arith.index_cast %add3A_346 : i32 to index
            %get3A_349 = arith.constant 48 : index
            %get3A_350 = tpu.vector_load %arg8[%get3A_347, %get3A_348, %get3A_349] {strides = array<i32>} : memref<2x768x64xf32, #tpu.memory_space<vmem>>, vector<1x1x16xf32>,
            %get3A_351 = vector.shape_cast %get3A_350 : vector<1x1x16xf32> to vector<16xf32>
            %add3A_352 = arith.addf %get3A_344, %get3A_351 : vector<16xf32>
            %add3A_353 = arith.addf %while3A_294, %add3A_313 : vector<16xf32>
            %add3A_354 = arith.addf %while3A_295, %add3A_326 : vector<16xf32>
            %add3A_355 = arith.addf %while3A_296, %add3A_339 : vector<16xf32>
            %add3A_356 = arith.addf %while3A_297, %add3A_352 : vector<16xf32>
            scf.yield %add3A_353, %add3A_354, %add3A_355, %add3A_356 : vector<16xf32>, vector<16xf32>, vector<16xf32>, vector<16xf32>
          }
          %while3A_251 = arith.constant 1 : i32
          %while3A_252:4 = scf.for %while3A_293 = %while3A_248 to %while3A_244 step %while3A_251 iter_args(%while3A_294 = %while3A_250#0, %while3A_295 = %while3A_250#1, %while3A_296 = %while3A_250#2, %while3A_297 = %while3A_250#3) -> (vector<16xf32>, vector<16xf32>, vector<16xf32>, vector<16xf32>)  : i32 {
            %mul3A_298 = arith.constant 2 : i32
            %mul3A_299 = arith.muli %mul3A_298, %while3A_293 : i32
            %add3A_300 = arith.addi %sub3A_216, %mul3A_299 : i32
            %get3A_301 = arith.index_cast %rem3A_136 : i32 to index
            %get3A_302 = arith.index_cast %add3A_300 : i32 to index
            %get3A_303 = arith.constant 0 : index
            %get3A_304 = tpu.vector_load %arg8[%get3A_301, %get3A_302, %get3A_303] {strides = array<i32>} : memref<2x768x64xf32, #tpu.memory_space<vmem>>, vector<1x1x16xf32>,
            %get3A_305 = vector.shape_cast %get3A_304 : vector<1x1x16xf32> to vector<16xf32>
            %add3A_306 = arith.constant 1 : i32
            %add3A_307 = arith.addi %add3A_300, %add3A_306 : i32
            %get3A_308 = arith.index_cast %rem3A_136 : i32 to index
            %get3A_309 = arith.index_cast %add3A_307 : i32 to index
            %get3A_310 = arith.constant 0 : index
            %get3A_311 = tpu.vector_load %arg8[%get3A_308, %get3A_309, %get3A_310] {strides = array<i32>} : memref<2x768x64xf32, #tpu.memory_space<vmem>>, vector<1x1x16xf32>,
            %get3A_312 = vector.shape_cast %get3A_311 : vector<1x1x16xf32> to vector<16xf32>
            %add3A_313 = arith.addf %get3A_305, %get3A_312 : vector<16xf32>
            %get3A_314 = arith.index_cast %rem3A_136 : i32 to index
            %get3A_315 = arith.index_cast %add3A_300 : i32 to index
            %get3A_316 = arith.constant 16 : index
            %get3A_317 = tpu.vector_load %arg8[%get3A_314, %get3A_315, %get3A_316] {strides = array<i32>} : memref<2x768x64xf32, #tpu.memory_space<vmem>>, vector<1x1x16xf32>,
            %get3A_318 = vector.shape_cast %get3A_317 : vector<1x1x16xf32> to vector<16xf32>
            %add3A_319 = arith.constant 1 : i32
            %add3A_320 = arith.addi %add3A_300, %add3A_319 : i32
            %get3A_321 = arith.index_cast %rem3A_136 : i32 to index
            %get3A_322 = arith.index_cast %add3A_320 : i32 to index
            %get3A_323 = arith.constant 16 : index
            %get3A_324 = tpu.vector_load %arg8[%get3A_321, %get3A_322, %get3A_323] {strides = array<i32>} : memref<2x768x64xf32, #tpu.memory_space<vmem>>, vector<1x1x16xf32>,
            %get3A_325 = vector.shape_cast %get3A_324 : vector<1x1x16xf32> to vector<16xf32>
            %add3A_326 = arith.addf %get3A_318, %get3A_325 : vector<16xf32>
            %get3A_327 = arith.index_cast %rem3A_136 : i32 to index
            %get3A_328 = arith.index_cast %add3A_300 : i32 to index
            %get3A_329 = arith.constant 32 : index
            %get3A_330 = tpu.vector_load %arg8[%get3A_327, %get3A_328, %get3A_329] {strides = array<i32>} : memref<2x768x64xf32, #tpu.memory_space<vmem>>, vector<1x1x16xf32>,
            %get3A_331 = vector.shape_cast %get3A_330 : vector<1x1x16xf32> to vector<16xf32>
            %add3A_332 = arith.constant 1 : i32
            %add3A_333 = arith.addi %add3A_300, %add3A_332 : i32
            %get3A_334 = arith.index_cast %rem3A_136 : i32 to index
            %get3A_335 = arith.index_cast %add3A_333 : i32 to index
            %get3A_336 = arith.constant 32 : index
            %get3A_337 = tpu.vector_load %arg8[%get3A_334, %get3A_335, %get3A_336] {strides = array<i32>} : memref<2x768x64xf32, #tpu.memory_space<vmem>>, vector<1x1x16xf32>,
            %get3A_338 = vector.shape_cast %get3A_337 : vector<1x1x16xf32> to vector<16xf32>
            %add3A_339 = arith.addf %get3A_331, %get3A_338 : vector<16xf32>
            %get3A_340 = arith.index_cast %rem3A_136 : i32 to index
            %get3A_341 = arith.index_cast %add3A_300 : i32 to index
            %get3A_342 = arith.constant 48 : index
            %get3A_343 = tpu.vector_load %arg8[%get3A_340, %get3A_341, %get3A_342] {strides = array<i32>} : memref<2x768x64xf32, #tpu.memory_space<vmem>>, vector<1x1x16xf32>,
            %get3A_344 = vector.shape_cast %get3A_343 : vector<1x1x16xf32> to vector<16xf32>
            %add3A_345 = arith.constant 1 : i32
            %add3A_346 = arith.addi %add3A_300, %add3A_345 : i32
            %get3A_347 = arith.index_cast %rem3A_136 : i32 to index
            %get3A_348 = arith.index_cast %add3A_346 : i32 to index
            %get3A_349 = arith.constant 48 : index
            %get3A_350 = tpu.vector_load %arg8[%get3A_347, %get3A_348, %get3A_349] {strides = array<i32>} : memref<2x768x64xf32, #tpu.memory_space<vmem>>, vector<1x1x16xf32>,
            %get3A_351 = vector.shape_cast %get3A_350 : vector<1x1x16xf32> to vector<16xf32>
            %add3A_352 = arith.addf %get3A_344, %get3A_351 : vector<16xf32>
            %add3A_353 = arith.addf %while3A_294, %add3A_313 : vector<16xf32>
            %add3A_354 = arith.addf %while3A_295, %add3A_326 : vector<16xf32>
            %add3A_355 = arith.addf %while3A_296, %add3A_339 : vector<16xf32>
            %add3A_356 = arith.addf %while3A_297, %add3A_352 : vector<16xf32>
            scf.yield %add3A_353, %add3A_354, %add3A_355, %add3A_356 : vector<16xf32>, vector<16xf32>, vector<16xf32>, vector<16xf32>
          }
          %mul3A_253 = arith.constant 2 : i32
          %mul3A_254 = arith.muli %mul3A_253, %select_n3A_241 : i32
          %add3A_255 = arith.addi %max3A_215, %mul3A_254 : i32
          %while3A_256 = arith.subi %min3A, %add3A_255 : i32
          %while3A_257 = arith.addi %add3A_255, %while3A_256 : i32
          %while3A_258 = arith.constant 1 : i32
          %while3A_259 = arith.divsi %while3A_256, %while3A_258 : i32
          %while3A_260 = arith.muli %while3A_259, %while3A_258 : i32
          %while3A_261 = arith.addi %add3A_255, %while3A_260 : i32
          %while3A_262 = arith.constant 1 : i32
          %while3A_263:4 = scf.for %while3A_293 = %add3A_255 to %while3A_261 step %while3A_262 iter_args(%while3A_294 = %while3A_252#0, %while3A_295 = %while3A_252#1, %while3A_296 = %while3A_252#2, %while3A_297 = %while3A_252#3) -> (vector<16xf32>, vector<16xf32>, vector<16xf32>, vector<16xf32>)  : i32 {
            %sub3A_298 = arith.subi %while3A_293, %add3A_169 : i32
            %get3A_299 = arith.index_cast %rem3A_136 : i32 to index
            %get3A_300 = arith.index_cast %sub3A_298 : i32 to index
            %get3A_301 = arith.constant 0 : index
            %get3A_302 = tpu.vector_load %arg8[%get3A_299, %get3A_300, %get3A_301] {strides = array<i32>} : memref<2x768x64xf32, #tpu.memory_space<vmem>>, vector<1x1x16xf32>,
            %get3A_303 = vector.shape_cast %get3A_302 : vector<1x1x16xf32> to vector<16xf32>
            %add3A_304 = arith.addf %while3A_294, %get3A_303 : vector<16xf32>
            %get3A_305 = arith.index_cast %rem3A_136 : i32 to index
            %get3A_306 = arith.index_cast %sub3A_298 : i32 to index
            %get3A_307 = arith.constant 16 : index
            %get3A_308 = tpu.vector_load %arg8[%get3A_305, %get3A_306, %get3A_307] {strides = array<i32>} : memref<2x768x64xf32, #tpu.memory_space<vmem>>, vector<1x1x16xf32>,
            %get3A_309 = vector.shape_cast %get3A_308 : vector<1x1x16xf32> to vector<16xf32>
            %add3A_310 = arith.addf %while3A_295, %get3A_309 : vector<16xf32>
            %get3A_311 = arith.index_cast %rem3A_136 : i32 to index
            %get3A_312 = arith.index_cast %sub3A_298 : i32 to index
            %get3A_313 = arith.constant 32 : index
            %get3A_314 = tpu.vector_load %arg8[%get3A_311, %get3A_312, %get3A_313] {strides = array<i32>} : memref<2x768x64xf32, #tpu.memory_space<vmem>>, vector<1x1x16xf32>,
            %get3A_315 = vector.shape_cast %get3A_314 : vector<1x1x16xf32> to vector<16xf32>
            %add3A_316 = arith.addf %while3A_296, %get3A_315 : vector<16xf32>
            %get3A_317 = arith.index_cast %rem3A_136 : i32 to index
            %get3A_318 = arith.index_cast %sub3A_298 : i32 to index
            %get3A_319 = arith.constant 48 : index
            %get3A_320 = tpu.vector_load %arg8[%get3A_317, %get3A_318, %get3A_319] {strides = array<i32>} : memref<2x768x64xf32, #tpu.memory_space<vmem>>, vector<1x1x16xf32>,
            %get3A_321 = vector.shape_cast %get3A_320 : vector<1x1x16xf32> to vector<16xf32>
            %add3A_322 = arith.addf %while3A_297, %get3A_321 : vector<16xf32>
            scf.yield %add3A_304, %add3A_310, %add3A_316, %add3A_322 : vector<16xf32>, vector<16xf32>, vector<16xf32>, vector<16xf32>
          }
          %while3A_264 = arith.constant 1 : i32
          %while3A_265:4 = scf.for %while3A_293 = %while3A_261 to %while3A_257 step %while3A_264 iter_args(%while3A_294 = %while3A_263#0, %while3A_295 = %while3A_263#1, %while3A_296 = %while3A_263#2, %while3A_297 = %while3A_263#3) -> (vector<16xf32>, vector<16xf32>, vector<16xf32>, vector<16xf32>)  : i32 {
            %sub3A_298 = arith.subi %while3A_293, %add3A_169 : i32
            %get3A_299 = arith.index_cast %rem3A_136 : i32 to index
            %get3A_300 = arith.index_cast %sub3A_298 : i32 to index
            %get3A_301 = arith.constant 0 : index
            %get3A_302 = tpu.vector_load %arg8[%get3A_299, %get3A_300, %get3A_301] {strides = array<i32>} : memref<2x768x64xf32, #tpu.memory_space<vmem>>, vector<1x1x16xf32>,
            %get3A_303 = vector.shape_cast %get3A_302 : vector<1x1x16xf32> to vector<16xf32>
            %add3A_304 = arith.addf %while3A_294, %get3A_303 : vector<16xf32>
            %get3A_305 = arith.index_cast %rem3A_136 : i32 to index
            %get3A_306 = arith.index_cast %sub3A_298 : i32 to index
            %get3A_307 = arith.constant 16 : index
            %get3A_308 = tpu.vector_load %arg8[%get3A_305, %get3A_306, %get3A_307] {strides = array<i32>} : memref<2x768x64xf32, #tpu.memory_space<vmem>>, vector<1x1x16xf32>,
            %get3A_309 = vector.shape_cast %get3A_308 : vector<1x1x16xf32> to vector<16xf32>
            %add3A_310 = arith.addf %while3A_295, %get3A_309 : vector<16xf32>
            %get3A_311 = arith.index_cast %rem3A_136 : i32 to index
            %get3A_312 = arith.index_cast %sub3A_298 : i32 to index
            %get3A_313 = arith.constant 32 : index
            %get3A_314 = tpu.vector_load %arg8[%get3A_311, %get3A_312, %get3A_313] {strides = array<i32>} : memref<2x768x64xf32, #tpu.memory_space<vmem>>, vector<1x1x16xf32>,
            %get3A_315 = vector.shape_cast %get3A_314 : vector<1x1x16xf32> to vector<16xf32>
            %add3A_316 = arith.addf %while3A_296, %get3A_315 : vector<16xf32>
            %get3A_317 = arith.index_cast %rem3A_136 : i32 to index
            %get3A_318 = arith.index_cast %sub3A_298 : i32 to index
            %get3A_319 = arith.constant 48 : index
            %get3A_320 = tpu.vector_load %arg8[%get3A_317, %get3A_318, %get3A_319] {strides = array<i32>} : memref<2x768x64xf32, #tpu.memory_space<vmem>>, vector<1x1x16xf32>,
            %get3A_321 = vector.shape_cast %get3A_320 : vector<1x1x16xf32> to vector<16xf32>
            %add3A_322 = arith.addf %while3A_297, %get3A_321 : vector<16xf32>
            scf.yield %add3A_304, %add3A_310, %add3A_316, %add3A_322 : vector<16xf32>, vector<16xf32>, vector<16xf32>, vector<16xf32>
          }
          %le3A = arith.cmpi sle, %squeeze3A_214, %add3A_171 : i32
          %jit3A_266 = arith.constant 256 : i32
          %select_n3A_267 = arith.select %le3A, %while3A_203, %jit3A_266 : i32
          %swap3A = arith.index_cast %select_n3A_267 : i32 to index
          %swap3A_268 = arith.constant 0 : index
          %swap3A_269 = tpu.vector_load %arg9[%swap3A, %swap3A_268] {strides = array<i32>} : memref<257x64xf32, #tpu.memory_space<vmem>>, vector<1x16xf32>,
          %swap3A_270 = vector.shape_cast %swap3A_269 : vector<1x16xf32> to vector<16xf32>
          %swap3A_271 = vector.shape_cast %while3A_265#0 : vector<16xf32> to vector<1x16xf32>
          tpu.vector_store %arg9[%swap3A, %swap3A_268], %swap3A_271 {strides = array<i32>} : memref<257x64xf32, #tpu.memory_space<vmem>>, vector<1x16xf32>,
          %swap3A_272 = arith.index_cast %select_n3A_267 : i32 to index
          %swap3A_273 = arith.constant 16 : index
          %swap3A_274 = tpu.vector_load %arg9[%swap3A_272, %swap3A_273] {strides = array<i32>} : memref<257x64xf32, #tpu.memory_space<vmem>>, vector<1x16xf32>,
          %swap3A_275 = vector.shape_cast %swap3A_274 : vector<1x16xf32> to vector<16xf32>
          %swap3A_276 = vector.shape_cast %while3A_265#1 : vector<16xf32> to vector<1x16xf32>
          tpu.vector_store %arg9[%swap3A_272, %swap3A_273], %swap3A_276 {strides = array<i32>} : memref<257x64xf32, #tpu.memory_space<vmem>>, vector<1x16xf32>,
          %swap3A_277 = arith.index_cast %select_n3A_267 : i32 to index
          %swap3A_278 = arith.constant 32 : index
          %swap3A_279 = tpu.vector_load %arg9[%swap3A_277, %swap3A_278] {strides = array<i32>} : memref<257x64xf32, #tpu.memory_space<vmem>>, vector<1x16xf32>,
          %swap3A_280 = vector.shape_cast %swap3A_279 : vector<1x16xf32> to vector<16xf32>
          %swap3A_281 = vector.shape_cast %while3A_265#2 : vector<16xf32> to vector<1x16xf32>
          tpu.vector_store %arg9[%swap3A_277, %swap3A_278], %swap3A_281 {strides = array<i32>} : memref<257x64xf32, #tpu.memory_space<vmem>>, vector<1x16xf32>,
          %swap3A_282 = arith.index_cast %select_n3A_267 : i32 to index
          %swap3A_283 = arith.constant 48 : index
          %swap3A_284 = tpu.vector_load %arg9[%swap3A_282, %swap3A_283] {strides = array<i32>} : memref<257x64xf32, #tpu.memory_space<vmem>>, vector<1x16xf32>,
          %swap3A_285 = vector.shape_cast %swap3A_284 : vector<1x16xf32> to vector<16xf32>
          %swap3A_286 = vector.shape_cast %while3A_265#3 : vector<16xf32> to vector<1x16xf32>
          tpu.vector_store %arg9[%swap3A_282, %swap3A_283], %swap3A_286 {strides = array<i32>} : memref<257x64xf32, #tpu.memory_space<vmem>>, vector<1x16xf32>,
          %broadcast_in_dim3A_287 = arith.constant 0.000000e+00 : f32
          %broadcast_in_dim3A_288 = vector.broadcast %broadcast_in_dim3A_287 : f32 to vector<16xf32>
          %select_n3A_289 = arith.select %le3A, %broadcast_in_dim3A_288, %while3A_265#0 : vector<16xf32>
          %select_n3A_290 = arith.select %le3A, %broadcast_in_dim3A_288, %while3A_265#1 : vector<16xf32>
          %select_n3A_291 = arith.select %le3A, %broadcast_in_dim3A_288, %while3A_265#2 : vector<16xf32>
          %select_n3A_292 = arith.select %le3A, %broadcast_in_dim3A_288, %while3A_265#3 : vector<16xf32>
          scf.yield %select_n3A_289, %select_n3A_290, %select_n3A_291, %select_n3A_292 : vector<16xf32>, vector<16xf32>, vector<16xf32>, vector<16xf32>
        }
        %while3A_187 = arith.constant 1 : i32
        %while3A_188:4 = scf.for %while3A_203 = %while3A_184 to %while3A_180 step %while3A_187 iter_args(%while3A_204 = %while3A_186#0, %while3A_205 = %while3A_186#1, %while3A_206 = %while3A_186#2, %while3A_207 = %while3A_186#3) -> (vector<16xf32>, vector<16xf32>, vector<16xf32>, vector<16xf32>)  : i32 {
          %get3A_208 = arith.index_cast %while3A_203 : i32 to index
          %get3A_209 = tpu.vector_load %arg6[%get3A_208] {strides = array<i32>} : memref<288xi32, #tpu.memory_space<vmem>>, vector<16xi32>,
          %get3A_210 = vector.shape_cast %get3A_209 : vector<16xi32> to vector<16xi32>
          %slice3A_211 = vector.extract_strided_slice %get3A_210 {offsets = [0], sizes = [1], strides = [1]} : vector<16xi32> to vector<1xi32>
          %squeeze3A_212 = vector.extract %slice3A_211[0] : i32 from vector<1xi32>
          %slice3A_213 = vector.extract_strided_slice %get3A_210 {offsets = [1], sizes = [1], strides = [1]} : vector<16xi32> to vector<1xi32>
          %squeeze3A_214 = vector.extract %slice3A_213[0] : i32 from vector<1xi32>
          %max3A_215 = arith.maxsi %squeeze3A_212, %add3A_169 : i32
          %min3A = arith.minsi %squeeze3A_214, %add3A_171 : i32
          %sub3A_216 = arith.subi %max3A_215, %add3A_169 : i32
          %sub3A_217 = arith.subi %min3A, %max3A_215 : i32
          %jit3A_218 = arith.constant 2 : i32
          %div3A_219 = arith.divsi %sub3A_217, %jit3A_218 : i32
          %sign3A_220 = arith.constant 0 : i32
          %sign3A_221 = arith.cmpi sgt, %sub3A_217, %sign3A_220 : i32
          %sign3A_222 = arith.extui %sign3A_221 : i1 to i32
          %sign3A_223 = arith.constant 0 : i32
          %sign3A_224 = arith.cmpi slt, %sub3A_217, %sign3A_223 : i32
          %sign3A_225 = arith.extui %sign3A_224 : i1 to i32
          %sign3A_226 = arith.subi %sign3A_222, %sign3A_225 : i32
          %sign3A_227 = arith.constant 0 : i32
          %sign3A_228 = arith.cmpi sgt, %jit3A_218, %sign3A_227 : i32
          %sign3A_229 = arith.extui %sign3A_228 : i1 to i32
          %sign3A_230 = arith.constant 0 : i32
          %sign3A_231 = arith.cmpi slt, %jit3A_218, %sign3A_230 : i32
          %sign3A_232 = arith.extui %sign3A_231 : i1 to i32
          %sign3A_233 = arith.subi %sign3A_229, %sign3A_232 : i32
          %ne3A_234 = arith.cmpi ne, %sign3A_226, %sign3A_233 : i32
          %rem3A_235 = arith.remsi %sub3A_217, %jit3A_218 : i32
          %ne3A_236 = arith.constant 0 : i32
          %ne3A_237 = arith.cmpi ne, %rem3A_235, %ne3A_236 : i32
          %and3A_238 = arith.andi %ne3A_234, %ne3A_237 : i1
          %sub3A_239 = arith.constant 1 : i32
          %sub3A_240 = arith.subi %div3A_219, %sub3A_239 : i32
          %select_n3A_241 = arith.select %and3A_238, %sub3A_240, %div3A_219 : i32
          %while3A_242 = arith.constant 0 : i32
          %while3A_243 = arith.subi %select_n3A_241, %while3A_242 : i32
          %while3A_244 = arith.addi %while3A_242, %while3A_243 : i32
          %while3A_245 = arith.constant 1 : i32
          %while3A_246 = arith.divsi %while3A_243, %while3A_245 : i32
          %while3A_247 = arith.muli %while3A_246, %while3A_245 : i32
          %while3A_248 = arith.addi %while3A_242, %while3A_247 : i32
          %while3A_249 = arith.constant 1 : i32
          %while3A_250:4 = scf.for %while3A_293 = %while3A_242 to %while3A_248 step %while3A_249 iter_args(%while3A_294 = %while3A_204, %while3A_295 = %while3A_205, %while3A_296 = %while3A_206, %while3A_297 = %while3A_207) -> (vector<16xf32>, vector<16xf32>, vector<16xf32>, vector<16xf32>)  : i32 {
            %mul3A_298 = arith.constant 2 : i32
            %mul3A_299 = arith.muli %mul3A_298, %while3A_293 : i32
            %add3A_300 = arith.addi %sub3A_216, %mul3A_299 : i32
            %get3A_301 = arith.index_cast %rem3A_136 : i32 to index
            %get3A_302 = arith.index_cast %add3A_300 : i32 to index
            %get3A_303 = arith.constant 0 : index
            %get3A_304 = tpu.vector_load %arg8[%get3A_301, %get3A_302, %get3A_303] {strides = array<i32>} : memref<2x768x64xf32, #tpu.memory_space<vmem>>, vector<1x1x16xf32>,
            %get3A_305 = vector.shape_cast %get3A_304 : vector<1x1x16xf32> to vector<16xf32>
            %add3A_306 = arith.constant 1 : i32
            %add3A_307 = arith.addi %add3A_300, %add3A_306 : i32
            %get3A_308 = arith.index_cast %rem3A_136 : i32 to index
            %get3A_309 = arith.index_cast %add3A_307 : i32 to index
            %get3A_310 = arith.constant 0 : index
            %get3A_311 = tpu.vector_load %arg8[%get3A_308, %get3A_309, %get3A_310] {strides = array<i32>} : memref<2x768x64xf32, #tpu.memory_space<vmem>>, vector<1x1x16xf32>,
            %get3A_312 = vector.shape_cast %get3A_311 : vector<1x1x16xf32> to vector<16xf32>
            %add3A_313 = arith.addf %get3A_305, %get3A_312 : vector<16xf32>
            %get3A_314 = arith.index_cast %rem3A_136 : i32 to index
            %get3A_315 = arith.index_cast %add3A_300 : i32 to index
            %get3A_316 = arith.constant 16 : index
            %get3A_317 = tpu.vector_load %arg8[%get3A_314, %get3A_315, %get3A_316] {strides = array<i32>} : memref<2x768x64xf32, #tpu.memory_space<vmem>>, vector<1x1x16xf32>,
            %get3A_318 = vector.shape_cast %get3A_317 : vector<1x1x16xf32> to vector<16xf32>
            %add3A_319 = arith.constant 1 : i32
            %add3A_320 = arith.addi %add3A_300, %add3A_319 : i32
            %get3A_321 = arith.index_cast %rem3A_136 : i32 to index
            %get3A_322 = arith.index_cast %add3A_320 : i32 to index
            %get3A_323 = arith.constant 16 : index
            %get3A_324 = tpu.vector_load %arg8[%get3A_321, %get3A_322, %get3A_323] {strides = array<i32>} : memref<2x768x64xf32, #tpu.memory_space<vmem>>, vector<1x1x16xf32>,
            %get3A_325 = vector.shape_cast %get3A_324 : vector<1x1x16xf32> to vector<16xf32>
            %add3A_326 = arith.addf %get3A_318, %get3A_325 : vector<16xf32>
            %get3A_327 = arith.index_cast %rem3A_136 : i32 to index
            %get3A_328 = arith.index_cast %add3A_300 : i32 to index
            %get3A_329 = arith.constant 32 : index
            %get3A_330 = tpu.vector_load %arg8[%get3A_327, %get3A_328, %get3A_329] {strides = array<i32>} : memref<2x768x64xf32, #tpu.memory_space<vmem>>, vector<1x1x16xf32>,
            %get3A_331 = vector.shape_cast %get3A_330 : vector<1x1x16xf32> to vector<16xf32>
            %add3A_332 = arith.constant 1 : i32
            %add3A_333 = arith.addi %add3A_300, %add3A_332 : i32
            %get3A_334 = arith.index_cast %rem3A_136 : i32 to index
            %get3A_335 = arith.index_cast %add3A_333 : i32 to index
            %get3A_336 = arith.constant 32 : index
            %get3A_337 = tpu.vector_load %arg8[%get3A_334, %get3A_335, %get3A_336] {strides = array<i32>} : memref<2x768x64xf32, #tpu.memory_space<vmem>>, vector<1x1x16xf32>,
            %get3A_338 = vector.shape_cast %get3A_337 : vector<1x1x16xf32> to vector<16xf32>
            %add3A_339 = arith.addf %get3A_331, %get3A_338 : vector<16xf32>
            %get3A_340 = arith.index_cast %rem3A_136 : i32 to index
            %get3A_341 = arith.index_cast %add3A_300 : i32 to index
            %get3A_342 = arith.constant 48 : index
            %get3A_343 = tpu.vector_load %arg8[%get3A_340, %get3A_341, %get3A_342] {strides = array<i32>} : memref<2x768x64xf32, #tpu.memory_space<vmem>>, vector<1x1x16xf32>,
            %get3A_344 = vector.shape_cast %get3A_343 : vector<1x1x16xf32> to vector<16xf32>
            %add3A_345 = arith.constant 1 : i32
            %add3A_346 = arith.addi %add3A_300, %add3A_345 : i32
            %get3A_347 = arith.index_cast %rem3A_136 : i32 to index
            %get3A_348 = arith.index_cast %add3A_346 : i32 to index
            %get3A_349 = arith.constant 48 : index
            %get3A_350 = tpu.vector_load %arg8[%get3A_347, %get3A_348, %get3A_349] {strides = array<i32>} : memref<2x768x64xf32, #tpu.memory_space<vmem>>, vector<1x1x16xf32>,
            %get3A_351 = vector.shape_cast %get3A_350 : vector<1x1x16xf32> to vector<16xf32>
            %add3A_352 = arith.addf %get3A_344, %get3A_351 : vector<16xf32>
            %add3A_353 = arith.addf %while3A_294, %add3A_313 : vector<16xf32>
            %add3A_354 = arith.addf %while3A_295, %add3A_326 : vector<16xf32>
            %add3A_355 = arith.addf %while3A_296, %add3A_339 : vector<16xf32>
            %add3A_356 = arith.addf %while3A_297, %add3A_352 : vector<16xf32>
            scf.yield %add3A_353, %add3A_354, %add3A_355, %add3A_356 : vector<16xf32>, vector<16xf32>, vector<16xf32>, vector<16xf32>
          }
          %while3A_251 = arith.constant 1 : i32
          %while3A_252:4 = scf.for %while3A_293 = %while3A_248 to %while3A_244 step %while3A_251 iter_args(%while3A_294 = %while3A_250#0, %while3A_295 = %while3A_250#1, %while3A_296 = %while3A_250#2, %while3A_297 = %while3A_250#3) -> (vector<16xf32>, vector<16xf32>, vector<16xf32>, vector<16xf32>)  : i32 {
            %mul3A_298 = arith.constant 2 : i32
            %mul3A_299 = arith.muli %mul3A_298, %while3A_293 : i32
            %add3A_300 = arith.addi %sub3A_216, %mul3A_299 : i32
            %get3A_301 = arith.index_cast %rem3A_136 : i32 to index
            %get3A_302 = arith.index_cast %add3A_300 : i32 to index
            %get3A_303 = arith.constant 0 : index
            %get3A_304 = tpu.vector_load %arg8[%get3A_301, %get3A_302, %get3A_303] {strides = array<i32>} : memref<2x768x64xf32, #tpu.memory_space<vmem>>, vector<1x1x16xf32>,
            %get3A_305 = vector.shape_cast %get3A_304 : vector<1x1x16xf32> to vector<16xf32>
            %add3A_306 = arith.constant 1 : i32
            %add3A_307 = arith.addi %add3A_300, %add3A_306 : i32
            %get3A_308 = arith.index_cast %rem3A_136 : i32 to index
            %get3A_309 = arith.index_cast %add3A_307 : i32 to index
            %get3A_310 = arith.constant 0 : index
            %get3A_311 = tpu.vector_load %arg8[%get3A_308, %get3A_309, %get3A_310] {strides = array<i32>} : memref<2x768x64xf32, #tpu.memory_space<vmem>>, vector<1x1x16xf32>,
            %get3A_312 = vector.shape_cast %get3A_311 : vector<1x1x16xf32> to vector<16xf32>
            %add3A_313 = arith.addf %get3A_305, %get3A_312 : vector<16xf32>
            %get3A_314 = arith.index_cast %rem3A_136 : i32 to index
            %get3A_315 = arith.index_cast %add3A_300 : i32 to index
            %get3A_316 = arith.constant 16 : index
            %get3A_317 = tpu.vector_load %arg8[%get3A_314, %get3A_315, %get3A_316] {strides = array<i32>} : memref<2x768x64xf32, #tpu.memory_space<vmem>>, vector<1x1x16xf32>,
            %get3A_318 = vector.shape_cast %get3A_317 : vector<1x1x16xf32> to vector<16xf32>
            %add3A_319 = arith.constant 1 : i32
            %add3A_320 = arith.addi %add3A_300, %add3A_319 : i32
            %get3A_321 = arith.index_cast %rem3A_136 : i32 to index
            %get3A_322 = arith.index_cast %add3A_320 : i32 to index
            %get3A_323 = arith.constant 16 : index
            %get3A_324 = tpu.vector_load %arg8[%get3A_321, %get3A_322, %get3A_323] {strides = array<i32>} : memref<2x768x64xf32, #tpu.memory_space<vmem>>, vector<1x1x16xf32>,
            %get3A_325 = vector.shape_cast %get3A_324 : vector<1x1x16xf32> to vector<16xf32>
            %add3A_326 = arith.addf %get3A_318, %get3A_325 : vector<16xf32>
            %get3A_327 = arith.index_cast %rem3A_136 : i32 to index
            %get3A_328 = arith.index_cast %add3A_300 : i32 to index
            %get3A_329 = arith.constant 32 : index
            %get3A_330 = tpu.vector_load %arg8[%get3A_327, %get3A_328, %get3A_329] {strides = array<i32>} : memref<2x768x64xf32, #tpu.memory_space<vmem>>, vector<1x1x16xf32>,
            %get3A_331 = vector.shape_cast %get3A_330 : vector<1x1x16xf32> to vector<16xf32>
            %add3A_332 = arith.constant 1 : i32
            %add3A_333 = arith.addi %add3A_300, %add3A_332 : i32
            %get3A_334 = arith.index_cast %rem3A_136 : i32 to index
            %get3A_335 = arith.index_cast %add3A_333 : i32 to index
            %get3A_336 = arith.constant 32 : index
            %get3A_337 = tpu.vector_load %arg8[%get3A_334, %get3A_335, %get3A_336] {strides = array<i32>} : memref<2x768x64xf32, #tpu.memory_space<vmem>>, vector<1x1x16xf32>,
            %get3A_338 = vector.shape_cast %get3A_337 : vector<1x1x16xf32> to vector<16xf32>
            %add3A_339 = arith.addf %get3A_331, %get3A_338 : vector<16xf32>
            %get3A_340 = arith.index_cast %rem3A_136 : i32 to index
            %get3A_341 = arith.index_cast %add3A_300 : i32 to index
            %get3A_342 = arith.constant 48 : index
            %get3A_343 = tpu.vector_load %arg8[%get3A_340, %get3A_341, %get3A_342] {strides = array<i32>} : memref<2x768x64xf32, #tpu.memory_space<vmem>>, vector<1x1x16xf32>,
            %get3A_344 = vector.shape_cast %get3A_343 : vector<1x1x16xf32> to vector<16xf32>
            %add3A_345 = arith.constant 1 : i32
            %add3A_346 = arith.addi %add3A_300, %add3A_345 : i32
            %get3A_347 = arith.index_cast %rem3A_136 : i32 to index
            %get3A_348 = arith.index_cast %add3A_346 : i32 to index
            %get3A_349 = arith.constant 48 : index
            %get3A_350 = tpu.vector_load %arg8[%get3A_347, %get3A_348, %get3A_349] {strides = array<i32>} : memref<2x768x64xf32, #tpu.memory_space<vmem>>, vector<1x1x16xf32>,
            %get3A_351 = vector.shape_cast %get3A_350 : vector<1x1x16xf32> to vector<16xf32>
            %add3A_352 = arith.addf %get3A_344, %get3A_351 : vector<16xf32>
            %add3A_353 = arith.addf %while3A_294, %add3A_313 : vector<16xf32>
            %add3A_354 = arith.addf %while3A_295, %add3A_326 : vector<16xf32>
            %add3A_355 = arith.addf %while3A_296, %add3A_339 : vector<16xf32>
            %add3A_356 = arith.addf %while3A_297, %add3A_352 : vector<16xf32>
            scf.yield %add3A_353, %add3A_354, %add3A_355, %add3A_356 : vector<16xf32>, vector<16xf32>, vector<16xf32>, vector<16xf32>
          }
          %mul3A_253 = arith.constant 2 : i32
          %mul3A_254 = arith.muli %mul3A_253, %select_n3A_241 : i32
          %add3A_255 = arith.addi %max3A_215, %mul3A_254 : i32
          %while3A_256 = arith.subi %min3A, %add3A_255 : i32
          %while3A_257 = arith.addi %add3A_255, %while3A_256 : i32
          %while3A_258 = arith.constant 1 : i32
          %while3A_259 = arith.divsi %while3A_256, %while3A_258 : i32
          %while3A_260 = arith.muli %while3A_259, %while3A_258 : i32
          %while3A_261 = arith.addi %add3A_255, %while3A_260 : i32
          %while3A_262 = arith.constant 1 : i32
          %while3A_263:4 = scf.for %while3A_293 = %add3A_255 to %while3A_261 step %while3A_262 iter_args(%while3A_294 = %while3A_252#0, %while3A_295 = %while3A_252#1, %while3A_296 = %while3A_252#2, %while3A_297 = %while3A_252#3) -> (vector<16xf32>, vector<16xf32>, vector<16xf32>, vector<16xf32>)  : i32 {
            %sub3A_298 = arith.subi %while3A_293, %add3A_169 : i32
            %get3A_299 = arith.index_cast %rem3A_136 : i32 to index
            %get3A_300 = arith.index_cast %sub3A_298 : i32 to index
            %get3A_301 = arith.constant 0 : index
            %get3A_302 = tpu.vector_load %arg8[%get3A_299, %get3A_300, %get3A_301] {strides = array<i32>} : memref<2x768x64xf32, #tpu.memory_space<vmem>>, vector<1x1x16xf32>,
            %get3A_303 = vector.shape_cast %get3A_302 : vector<1x1x16xf32> to vector<16xf32>
            %add3A_304 = arith.addf %while3A_294, %get3A_303 : vector<16xf32>
            %get3A_305 = arith.index_cast %rem3A_136 : i32 to index
            %get3A_306 = arith.index_cast %sub3A_298 : i32 to index
            %get3A_307 = arith.constant 16 : index
            %get3A_308 = tpu.vector_load %arg8[%get3A_305, %get3A_306, %get3A_307] {strides = array<i32>} : memref<2x768x64xf32, #tpu.memory_space<vmem>>, vector<1x1x16xf32>,
            %get3A_309 = vector.shape_cast %get3A_308 : vector<1x1x16xf32> to vector<16xf32>
            %add3A_310 = arith.addf %while3A_295, %get3A_309 : vector<16xf32>
            %get3A_311 = arith.index_cast %rem3A_136 : i32 to index
            %get3A_312 = arith.index_cast %sub3A_298 : i32 to index
            %get3A_313 = arith.constant 32 : index
            %get3A_314 = tpu.vector_load %arg8[%get3A_311, %get3A_312, %get3A_313] {strides = array<i32>} : memref<2x768x64xf32, #tpu.memory_space<vmem>>, vector<1x1x16xf32>,
            %get3A_315 = vector.shape_cast %get3A_314 : vector<1x1x16xf32> to vector<16xf32>
            %add3A_316 = arith.addf %while3A_296, %get3A_315 : vector<16xf32>
            %get3A_317 = arith.index_cast %rem3A_136 : i32 to index
            %get3A_318 = arith.index_cast %sub3A_298 : i32 to index
            %get3A_319 = arith.constant 48 : index
            %get3A_320 = tpu.vector_load %arg8[%get3A_317, %get3A_318, %get3A_319] {strides = array<i32>} : memref<2x768x64xf32, #tpu.memory_space<vmem>>, vector<1x1x16xf32>,
            %get3A_321 = vector.shape_cast %get3A_320 : vector<1x1x16xf32> to vector<16xf32>
            %add3A_322 = arith.addf %while3A_297, %get3A_321 : vector<16xf32>
            scf.yield %add3A_304, %add3A_310, %add3A_316, %add3A_322 : vector<16xf32>, vector<16xf32>, vector<16xf32>, vector<16xf32>
          }
          %while3A_264 = arith.constant 1 : i32
          %while3A_265:4 = scf.for %while3A_293 = %while3A_261 to %while3A_257 step %while3A_264 iter_args(%while3A_294 = %while3A_263#0, %while3A_295 = %while3A_263#1, %while3A_296 = %while3A_263#2, %while3A_297 = %while3A_263#3) -> (vector<16xf32>, vector<16xf32>, vector<16xf32>, vector<16xf32>)  : i32 {
            %sub3A_298 = arith.subi %while3A_293, %add3A_169 : i32
            %get3A_299 = arith.index_cast %rem3A_136 : i32 to index
            %get3A_300 = arith.index_cast %sub3A_298 : i32 to index
            %get3A_301 = arith.constant 0 : index
            %get3A_302 = tpu.vector_load %arg8[%get3A_299, %get3A_300, %get3A_301] {strides = array<i32>} : memref<2x768x64xf32, #tpu.memory_space<vmem>>, vector<1x1x16xf32>,
            %get3A_303 = vector.shape_cast %get3A_302 : vector<1x1x16xf32> to vector<16xf32>
            %add3A_304 = arith.addf %while3A_294, %get3A_303 : vector<16xf32>
            %get3A_305 = arith.index_cast %rem3A_136 : i32 to index
            %get3A_306 = arith.index_cast %sub3A_298 : i32 to index
            %get3A_307 = arith.constant 16 : index
            %get3A_308 = tpu.vector_load %arg8[%get3A_305, %get3A_306, %get3A_307] {strides = array<i32>} : memref<2x768x64xf32, #tpu.memory_space<vmem>>, vector<1x1x16xf32>,
            %get3A_309 = vector.shape_cast %get3A_308 : vector<1x1x16xf32> to vector<16xf32>
            %add3A_310 = arith.addf %while3A_295, %get3A_309 : vector<16xf32>
            %get3A_311 = arith.index_cast %rem3A_136 : i32 to index
            %get3A_312 = arith.index_cast %sub3A_298 : i32 to index
            %get3A_313 = arith.constant 32 : index
            %get3A_314 = tpu.vector_load %arg8[%get3A_311, %get3A_312, %get3A_313] {strides = array<i32>} : memref<2x768x64xf32, #tpu.memory_space<vmem>>, vector<1x1x16xf32>,
            %get3A_315 = vector.shape_cast %get3A_314 : vector<1x1x16xf32> to vector<16xf32>
            %add3A_316 = arith.addf %while3A_296, %get3A_315 : vector<16xf32>
            %get3A_317 = arith.index_cast %rem3A_136 : i32 to index
            %get3A_318 = arith.index_cast %sub3A_298 : i32 to index
            %get3A_319 = arith.constant 48 : index
            %get3A_320 = tpu.vector_load %arg8[%get3A_317, %get3A_318, %get3A_319] {strides = array<i32>} : memref<2x768x64xf32, #tpu.memory_space<vmem>>, vector<1x1x16xf32>,
            %get3A_321 = vector.shape_cast %get3A_320 : vector<1x1x16xf32> to vector<16xf32>
            %add3A_322 = arith.addf %while3A_297, %get3A_321 : vector<16xf32>
            scf.yield %add3A_304, %add3A_310, %add3A_316, %add3A_322 : vector<16xf32>, vector<16xf32>, vector<16xf32>, vector<16xf32>
          }
          %le3A = arith.cmpi sle, %squeeze3A_214, %add3A_171 : i32
          %jit3A_266 = arith.constant 256 : i32
          %select_n3A_267 = arith.select %le3A, %while3A_203, %jit3A_266 : i32
          %swap3A = arith.index_cast %select_n3A_267 : i32 to index
          %swap3A_268 = arith.constant 0 : index
          %swap3A_269 = tpu.vector_load %arg9[%swap3A, %swap3A_268] {strides = array<i32>} : memref<257x64xf32, #tpu.memory_space<vmem>>, vector<1x16xf32>,
          %swap3A_270 = vector.shape_cast %swap3A_269 : vector<1x16xf32> to vector<16xf32>
          %swap3A_271 = vector.shape_cast %while3A_265#0 : vector<16xf32> to vector<1x16xf32>
          tpu.vector_store %arg9[%swap3A, %swap3A_268], %swap3A_271 {strides = array<i32>} : memref<257x64xf32, #tpu.memory_space<vmem>>, vector<1x16xf32>,
          %swap3A_272 = arith.index_cast %select_n3A_267 : i32 to index
          %swap3A_273 = arith.constant 16 : index
          %swap3A_274 = tpu.vector_load %arg9[%swap3A_272, %swap3A_273] {strides = array<i32>} : memref<257x64xf32, #tpu.memory_space<vmem>>, vector<1x16xf32>,
          %swap3A_275 = vector.shape_cast %swap3A_274 : vector<1x16xf32> to vector<16xf32>
          %swap3A_276 = vector.shape_cast %while3A_265#1 : vector<16xf32> to vector<1x16xf32>
          tpu.vector_store %arg9[%swap3A_272, %swap3A_273], %swap3A_276 {strides = array<i32>} : memref<257x64xf32, #tpu.memory_space<vmem>>, vector<1x16xf32>,
          %swap3A_277 = arith.index_cast %select_n3A_267 : i32 to index
          %swap3A_278 = arith.constant 32 : index
          %swap3A_279 = tpu.vector_load %arg9[%swap3A_277, %swap3A_278] {strides = array<i32>} : memref<257x64xf32, #tpu.memory_space<vmem>>, vector<1x16xf32>,
          %swap3A_280 = vector.shape_cast %swap3A_279 : vector<1x16xf32> to vector<16xf32>
          %swap3A_281 = vector.shape_cast %while3A_265#2 : vector<16xf32> to vector<1x16xf32>
          tpu.vector_store %arg9[%swap3A_277, %swap3A_278], %swap3A_281 {strides = array<i32>} : memref<257x64xf32, #tpu.memory_space<vmem>>, vector<1x16xf32>,
          %swap3A_282 = arith.index_cast %select_n3A_267 : i32 to index
          %swap3A_283 = arith.constant 48 : index
          %swap3A_284 = tpu.vector_load %arg9[%swap3A_282, %swap3A_283] {strides = array<i32>} : memref<257x64xf32, #tpu.memory_space<vmem>>, vector<1x16xf32>,
          %swap3A_285 = vector.shape_cast %swap3A_284 : vector<1x16xf32> to vector<16xf32>
          %swap3A_286 = vector.shape_cast %while3A_265#3 : vector<16xf32> to vector<1x16xf32>
          tpu.vector_store %arg9[%swap3A_282, %swap3A_283], %swap3A_286 {strides = array<i32>} : memref<257x64xf32, #tpu.memory_space<vmem>>, vector<1x16xf32>,
          %broadcast_in_dim3A_287 = arith.constant 0.000000e+00 : f32
          %broadcast_in_dim3A_288 = vector.broadcast %broadcast_in_dim3A_287 : f32 to vector<16xf32>
          %select_n3A_289 = arith.select %le3A, %broadcast_in_dim3A_288, %while3A_265#0 : vector<16xf32>
          %select_n3A_290 = arith.select %le3A, %broadcast_in_dim3A_288, %while3A_265#1 : vector<16xf32>
          %select_n3A_291 = arith.select %le3A, %broadcast_in_dim3A_288, %while3A_265#2 : vector<16xf32>
          %select_n3A_292 = arith.select %le3A, %broadcast_in_dim3A_288, %while3A_265#3 : vector<16xf32>
          scf.yield %select_n3A_289, %select_n3A_290, %select_n3A_291, %select_n3A_292 : vector<16xf32>, vector<16xf32>, vector<16xf32>, vector<16xf32>
        }
        %sub3A_189 = arith.constant 1 : i32
        %sub3A_190 = arith.subi %scan3A_177#0, %sub3A_189 : i32
        %max3A = arith.maxsi %sub3A_190, %while3A_130 : i32
        %add3A_191 = arith.constant 1 : i32
        %add3A_192 = arith.addi %max3A, %add3A_191 : i32
        %get3A_193 = arith.index_cast %add3A_192 : i32 to index
        %get3A_194 = tpu.vector_load %arg6[%get3A_193] {strides = array<i32>} : memref<288xi32, #tpu.memory_space<vmem>>, vector<16xi32>,
        %get3A_195 = vector.shape_cast %get3A_194 : vector<16xi32> to vector<16xi32>
        %slice3A_196 = vector.extract_strided_slice %get3A_195 {offsets = [0], sizes = [1], strides = [1]} : vector<16xi32> to vector<1xi32>
        %squeeze3A_197 = vector.extract %slice3A_196[0] : i32 from vector<1xi32>
        %gt3A_198 = arith.cmpi sgt, %squeeze3A_197, %add3A_171 : i32
        %gt3A_199 = arith.cmpi sgt, %scan3A_177#0, %while3A_130 : i32
        %convert_element_type3A_200 = arith.extui %gt3A_198 : i1 to i32
        %sub3A_201 = arith.subi %scan3A_177#0, %convert_element_type3A_200 : i32
        %select_n3A_202 = arith.select %gt3A_199, %sub3A_201, %while3A_130 : i32
        scf.yield %select_n3A_202, %while3A_188#0, %while3A_188#1, %while3A_188#2, %while3A_188#3 : i32, vector<16xf32>, vector<16xf32>, vector<16xf32>, vector<16xf32>
      }
      %while3A_126 = arith.constant 1 : i32
      %while3A_127:5 = scf.for %while3A_129 = %while3A_123 to %while3A_119 step %while3A_126 iter_args(%while3A_130 = %while3A_125#0, %while3A_131 = %while3A_125#1, %while3A_132 = %while3A_125#2, %while3A_133 = %while3A_125#3, %while3A_134 = %while3A_125#4) -> (i32, vector<16xf32>, vector<16xf32>, vector<16xf32>, vector<16xf32>)  : i32 {
        %rem3A_135 = arith.constant 2 : i32
        %rem3A_136 = arith.remsi %while3A_129, %rem3A_135 : i32
        %add3A_137 = arith.constant 1 : i32
        %add3A_138 = arith.addi %while3A_129, %add3A_137 : i32
        %lt3A_139 = arith.cmpi slt, %add3A_138, %select_n3A_113 : i32
        %convert_element_type3A_140 = arith.extui %lt3A_139 : i1 to i32
        %cond3A_141 = arith.constant 0 : i32
        %cond3A_142 = arith.cmpi ne, %convert_element_type3A_140, %cond3A_141 : i32
        scf.if %cond3A_142 {
          %add3A_203 = arith.constant 1 : i32
          %add3A_204 = arith.addi %while3A_129, %add3A_203 : i32
          %sub3A_205 = arith.constant 1 : i32
          %sub3A_206 = arith.subi %sub3A_205, %rem3A_136 : i32
          %mul3A_207 = arith.constant 768 : i32
          %mul3A_208 = arith.muli %add3A_204, %mul3A_207 : i32
          %add3A_209 = arith.addi %mul3A_86, %mul3A_208 : i32
          %mul3A_210 = arith.constant 768 : i32
          %mul3A_211 = arith.muli %sub3A_206, %mul3A_210 : i32
          "tpu.region"() ({
            %run_scoped3A = tpu.sem_alloc : memref<!tpu.dma_semaphore, #tpu.memory_space<semaphore_mem>>
            %dma_start3A_319 = tpu.memref_slice %arg7[%mul3A_211] : memref<1536xi32, #tpu.memory_space<vmem>> -> memref<768xi32, #tpu.memory_space<vmem>>
            %dma_start3A_320 = tpu.memref_slice %arg2[%add3A_209] : memref<2130696xi32, #tpu.memory_space<hbm>> -> memref<768xi32, #tpu.memory_space<hbm>>
            %dma_start3A_321 = tpu.memref_slice %arg7[%mul3A_211] : memref<1536xi32, #tpu.memory_space<vmem>> -> memref<768xi32, #tpu.memory_space<vmem>>
            %dma_start3A_322 = tpu.memref_slice %arg2[%add3A_209] : memref<2130696xi32, #tpu.memory_space<hbm>> -> memref<768xi32, #tpu.memory_space<hbm>>
            tpu.enqueue_dma source(%dma_start3A_322 : memref<768xi32, #tpu.memory_space<hbm>>) target(%dma_start3A_321 : memref<768xi32, #tpu.memory_space<vmem>>) target_semaphore(%run_scoped3A : memref<!tpu.dma_semaphore, #tpu.memory_space<semaphore_mem>>)
            %dma_wait3A_323 = tpu.memref_slice %arg7[%mul3A_211] : memref<1536xi32, #tpu.memory_space<vmem>> -> memref<768xi32, #tpu.memory_space<vmem>>
            %dma_wait3A_324 = tpu.memref_slice %arg2[%add3A_209] : memref<2130696xi32, #tpu.memory_space<hbm>> -> memref<768xi32, #tpu.memory_space<hbm>>
            %dma_wait3A_325 = tpu.memref_slice %arg7[%mul3A_211] : memref<1536xi32, #tpu.memory_space<vmem>> -> memref<768xi32, #tpu.memory_space<vmem>>
            %dma_wait3A_326 = tpu.memref_slice %arg2[%add3A_209] : memref<2130696xi32, #tpu.memory_space<hbm>> -> memref<768xi32, #tpu.memory_space<hbm>>
            tpu.wait_dma2 semaphore(%run_scoped3A : memref<!tpu.dma_semaphore, #tpu.memory_space<semaphore_mem>>) src(%dma_wait3A_326 : memref<768xi32, #tpu.memory_space<hbm>>) dst(%dma_wait3A_325 : memref<768xi32, #tpu.memory_space<vmem>>)
            tpu.yield
          }) : () -> ()
          %mul3A_212 = arith.constant 768 : i32
          %mul3A_213 = arith.muli %sub3A_206, %mul3A_212 : i32
          %add3A_214 = arith.constant 0 : i32
          %add3A_215 = arith.addi %mul3A_213, %add3A_214 : i32
          %dma_start3A = arith.constant 0 : i32
          %dma_start3A_216 = arith.constant 0 : i32
          %dma_start3A_217 = tpu.memref_slice %arg8[%sub3A_206, %dma_start3A, %dma_start3A_216] : memref<2x768x64xf32, #tpu.memory_space<vmem>> -> memref<1x128x64xf32, #tpu.memory_space<vmem>>
          %dma_start3A_218 = tpu.memref_squeeze %dma_start3A_217 : memref<1x128x64xf32, #tpu.memory_space<vmem>> -> memref<128x64xf32, #tpu.memory_space<vmem>>
          %dma_start3A_219 = tpu.memref_slice %arg7[%add3A_215] : memref<1536xi32, #tpu.memory_space<vmem>> -> memref<128xi32, #tpu.memory_space<vmem>>
          %dma_start3A_220 = arith.constant 0 : i32
          %dma_start3A_221 = arith.constant 0 : i32
          %dma_start3A_222 = tpu.memref_slice %arg4[%select_n3A, %dma_start3A_220, %dma_start3A_221] : memref<26x100000x64xf32, #tpu.memory_space<hbm>> -> memref<1x100000x64xf32, #tpu.memory_space<hbm>>
          %dma_start3A_223 = tpu.memref_squeeze %dma_start3A_222 : memref<1x100000x64xf32, #tpu.memory_space<hbm>> -> memref<100000x64xf32, #tpu.memory_space<hbm>>
          %dma_start3A_224 = arith.constant 0 : i32
          %dma_start3A_225 = arith.constant 0 : i32
          %dma_start3A_226 = tpu.memref_slice %dma_start3A_223[%dma_start3A_224, %dma_start3A_225] : memref<100000x64xf32, #tpu.memory_space<hbm>> -> memref<100000x64xf32, #tpu.memory_space<hbm>>
          %dma_start3A_227 = tpu.memref_slice %arg10[%sub3A_206] : memref<2x!tpu.dma_semaphore, #tpu.memory_space<semaphore_mem>> -> memref<1x!tpu.dma_semaphore, #tpu.memory_space<semaphore_mem>>
          %dma_start3A_228 = tpu.memref_squeeze %dma_start3A_227 : memref<1x!tpu.dma_semaphore, #tpu.memory_space<semaphore_mem>> -> memref<!tpu.dma_semaphore, #tpu.memory_space<semaphore_mem>>
          tpu.enqueue_indirect_dma source(%dma_start3A_226 : memref<100000x64xf32, #tpu.memory_space<hbm>>) target(%dma_start3A_218 : memref<128x64xf32, #tpu.memory_space<vmem>>) offsets(%dma_start3A_219 : memref<128xi32, #tpu.memory_space<vmem>>) semaphore(%dma_start3A_228 : memref<!tpu.dma_semaphore, #tpu.memory_space<semaphore_mem>>)
          %mul3A_229 = arith.constant 768 : i32
          %mul3A_230 = arith.muli %sub3A_206, %mul3A_229 : i32
          %add3A_231 = arith.constant 128 : i32
          %add3A_232 = arith.addi %mul3A_230, %add3A_231 : i32
          %dma_start3A_233 = arith.constant 128 : i32
          %dma_start3A_234 = arith.constant 0 : i32
          %dma_start3A_235 = tpu.memref_slice %arg8[%sub3A_206, %dma_start3A_233, %dma_start3A_234] : memref<2x768x64xf32, #tpu.memory_space<vmem>> -> memref<1x128x64xf32, #tpu.memory_space<vmem>>
          %dma_start3A_236 = tpu.memref_squeeze %dma_start3A_235 : memref<1x128x64xf32, #tpu.memory_space<vmem>> -> memref<128x64xf32, #tpu.memory_space<vmem>>
          %dma_start3A_237 = tpu.memref_slice %arg7[%add3A_232] : memref<1536xi32, #tpu.memory_space<vmem>> -> memref<128xi32, #tpu.memory_space<vmem>>
          %dma_start3A_238 = arith.constant 0 : i32
          %dma_start3A_239 = arith.constant 0 : i32
          %dma_start3A_240 = tpu.memref_slice %arg4[%select_n3A, %dma_start3A_238, %dma_start3A_239] : memref<26x100000x64xf32, #tpu.memory_space<hbm>> -> memref<1x100000x64xf32, #tpu.memory_space<hbm>>
          %dma_start3A_241 = tpu.memref_squeeze %dma_start3A_240 : memref<1x100000x64xf32, #tpu.memory_space<hbm>> -> memref<100000x64xf32, #tpu.memory_space<hbm>>
          %dma_start3A_242 = arith.constant 0 : i32
          %dma_start3A_243 = arith.constant 0 : i32
          %dma_start3A_244 = tpu.memref_slice %dma_start3A_241[%dma_start3A_242, %dma_start3A_243] : memref<100000x64xf32, #tpu.memory_space<hbm>> -> memref<100000x64xf32, #tpu.memory_space<hbm>>
          %dma_start3A_245 = tpu.memref_slice %arg10[%sub3A_206] : memref<2x!tpu.dma_semaphore, #tpu.memory_space<semaphore_mem>> -> memref<1x!tpu.dma_semaphore, #tpu.memory_space<semaphore_mem>>
          %dma_start3A_246 = tpu.memref_squeeze %dma_start3A_245 : memref<1x!tpu.dma_semaphore, #tpu.memory_space<semaphore_mem>> -> memref<!tpu.dma_semaphore, #tpu.memory_space<semaphore_mem>>
          tpu.enqueue_indirect_dma source(%dma_start3A_244 : memref<100000x64xf32, #tpu.memory_space<hbm>>) target(%dma_start3A_236 : memref<128x64xf32, #tpu.memory_space<vmem>>) offsets(%dma_start3A_237 : memref<128xi32, #tpu.memory_space<vmem>>) semaphore(%dma_start3A_246 : memref<!tpu.dma_semaphore, #tpu.memory_space<semaphore_mem>>)
          %mul3A_247 = arith.constant 768 : i32
          %mul3A_248 = arith.muli %sub3A_206, %mul3A_247 : i32
          %add3A_249 = arith.constant 256 : i32
          %add3A_250 = arith.addi %mul3A_248, %add3A_249 : i32
          %dma_start3A_251 = arith.constant 256 : i32
          %dma_start3A_252 = arith.constant 0 : i32
          %dma_start3A_253 = tpu.memref_slice %arg8[%sub3A_206, %dma_start3A_251, %dma_start3A_252] : memref<2x768x64xf32, #tpu.memory_space<vmem>> -> memref<1x128x64xf32, #tpu.memory_space<vmem>>
          %dma_start3A_254 = tpu.memref_squeeze %dma_start3A_253 : memref<1x128x64xf32, #tpu.memory_space<vmem>> -> memref<128x64xf32, #tpu.memory_space<vmem>>
          %dma_start3A_255 = tpu.memref_slice %arg7[%add3A_250] : memref<1536xi32, #tpu.memory_space<vmem>> -> memref<128xi32, #tpu.memory_space<vmem>>
          %dma_start3A_256 = arith.constant 0 : i32
          %dma_start3A_257 = arith.constant 0 : i32
          %dma_start3A_258 = tpu.memref_slice %arg4[%select_n3A, %dma_start3A_256, %dma_start3A_257] : memref<26x100000x64xf32, #tpu.memory_space<hbm>> -> memref<1x100000x64xf32, #tpu.memory_space<hbm>>
          %dma_start3A_259 = tpu.memref_squeeze %dma_start3A_258 : memref<1x100000x64xf32, #tpu.memory_space<hbm>> -> memref<100000x64xf32, #tpu.memory_space<hbm>>
          %dma_start3A_260 = arith.constant 0 : i32
          %dma_start3A_261 = arith.constant 0 : i32
          %dma_start3A_262 = tpu.memref_slice %dma_start3A_259[%dma_start3A_260, %dma_start3A_261] : memref<100000x64xf32, #tpu.memory_space<hbm>> -> memref<100000x64xf32, #tpu.memory_space<hbm>>
          %dma_start3A_263 = tpu.memref_slice %arg10[%sub3A_206] : memref<2x!tpu.dma_semaphore, #tpu.memory_space<semaphore_mem>> -> memref<1x!tpu.dma_semaphore, #tpu.memory_space<semaphore_mem>>
          %dma_start3A_264 = tpu.memref_squeeze %dma_start3A_263 : memref<1x!tpu.dma_semaphore, #tpu.memory_space<semaphore_mem>> -> memref<!tpu.dma_semaphore, #tpu.memory_space<semaphore_mem>>
          tpu.enqueue_indirect_dma source(%dma_start3A_262 : memref<100000x64xf32, #tpu.memory_space<hbm>>) target(%dma_start3A_254 : memref<128x64xf32, #tpu.memory_space<vmem>>) offsets(%dma_start3A_255 : memref<128xi32, #tpu.memory_space<vmem>>) semaphore(%dma_start3A_264 : memref<!tpu.dma_semaphore, #tpu.memory_space<semaphore_mem>>)
          %mul3A_265 = arith.constant 768 : i32
          %mul3A_266 = arith.muli %sub3A_206, %mul3A_265 : i32
          %add3A_267 = arith.constant 384 : i32
          %add3A_268 = arith.addi %mul3A_266, %add3A_267 : i32
          %dma_start3A_269 = arith.constant 384 : i32
          %dma_start3A_270 = arith.constant 0 : i32
          %dma_start3A_271 = tpu.memref_slice %arg8[%sub3A_206, %dma_start3A_269, %dma_start3A_270] : memref<2x768x64xf32, #tpu.memory_space<vmem>> -> memref<1x128x64xf32, #tpu.memory_space<vmem>>
          %dma_start3A_272 = tpu.memref_squeeze %dma_start3A_271 : memref<1x128x64xf32, #tpu.memory_space<vmem>> -> memref<128x64xf32, #tpu.memory_space<vmem>>
          %dma_start3A_273 = tpu.memref_slice %arg7[%add3A_268] : memref<1536xi32, #tpu.memory_space<vmem>> -> memref<128xi32, #tpu.memory_space<vmem>>
          %dma_start3A_274 = arith.constant 0 : i32
          %dma_start3A_275 = arith.constant 0 : i32
          %dma_start3A_276 = tpu.memref_slice %arg4[%select_n3A, %dma_start3A_274, %dma_start3A_275] : memref<26x100000x64xf32, #tpu.memory_space<hbm>> -> memref<1x100000x64xf32, #tpu.memory_space<hbm>>
          %dma_start3A_277 = tpu.memref_squeeze %dma_start3A_276 : memref<1x100000x64xf32, #tpu.memory_space<hbm>> -> memref<100000x64xf32, #tpu.memory_space<hbm>>
          %dma_start3A_278 = arith.constant 0 : i32
          %dma_start3A_279 = arith.constant 0 : i32
          %dma_start3A_280 = tpu.memref_slice %dma_start3A_277[%dma_start3A_278, %dma_start3A_279] : memref<100000x64xf32, #tpu.memory_space<hbm>> -> memref<100000x64xf32, #tpu.memory_space<hbm>>
          %dma_start3A_281 = tpu.memref_slice %arg10[%sub3A_206] : memref<2x!tpu.dma_semaphore, #tpu.memory_space<semaphore_mem>> -> memref<1x!tpu.dma_semaphore, #tpu.memory_space<semaphore_mem>>
          %dma_start3A_282 = tpu.memref_squeeze %dma_start3A_281 : memref<1x!tpu.dma_semaphore, #tpu.memory_space<semaphore_mem>> -> memref<!tpu.dma_semaphore, #tpu.memory_space<semaphore_mem>>
          tpu.enqueue_indirect_dma source(%dma_start3A_280 : memref<100000x64xf32, #tpu.memory_space<hbm>>) target(%dma_start3A_272 : memref<128x64xf32, #tpu.memory_space<vmem>>) offsets(%dma_start3A_273 : memref<128xi32, #tpu.memory_space<vmem>>) semaphore(%dma_start3A_282 : memref<!tpu.dma_semaphore, #tpu.memory_space<semaphore_mem>>)
          %mul3A_283 = arith.constant 768 : i32
          %mul3A_284 = arith.muli %sub3A_206, %mul3A_283 : i32
          %add3A_285 = arith.constant 512 : i32
          %add3A_286 = arith.addi %mul3A_284, %add3A_285 : i32
          %dma_start3A_287 = arith.constant 512 : i32
          %dma_start3A_288 = arith.constant 0 : i32
          %dma_start3A_289 = tpu.memref_slice %arg8[%sub3A_206, %dma_start3A_287, %dma_start3A_288] : memref<2x768x64xf32, #tpu.memory_space<vmem>> -> memref<1x128x64xf32, #tpu.memory_space<vmem>>
          %dma_start3A_290 = tpu.memref_squeeze %dma_start3A_289 : memref<1x128x64xf32, #tpu.memory_space<vmem>> -> memref<128x64xf32, #tpu.memory_space<vmem>>
          %dma_start3A_291 = tpu.memref_slice %arg7[%add3A_286] : memref<1536xi32, #tpu.memory_space<vmem>> -> memref<128xi32, #tpu.memory_space<vmem>>
          %dma_start3A_292 = arith.constant 0 : i32
          %dma_start3A_293 = arith.constant 0 : i32
          %dma_start3A_294 = tpu.memref_slice %arg4[%select_n3A, %dma_start3A_292, %dma_start3A_293] : memref<26x100000x64xf32, #tpu.memory_space<hbm>> -> memref<1x100000x64xf32, #tpu.memory_space<hbm>>
          %dma_start3A_295 = tpu.memref_squeeze %dma_start3A_294 : memref<1x100000x64xf32, #tpu.memory_space<hbm>> -> memref<100000x64xf32, #tpu.memory_space<hbm>>
          %dma_start3A_296 = arith.constant 0 : i32
          %dma_start3A_297 = arith.constant 0 : i32
          %dma_start3A_298 = tpu.memref_slice %dma_start3A_295[%dma_start3A_296, %dma_start3A_297] : memref<100000x64xf32, #tpu.memory_space<hbm>> -> memref<100000x64xf32, #tpu.memory_space<hbm>>
          %dma_start3A_299 = tpu.memref_slice %arg10[%sub3A_206] : memref<2x!tpu.dma_semaphore, #tpu.memory_space<semaphore_mem>> -> memref<1x!tpu.dma_semaphore, #tpu.memory_space<semaphore_mem>>
          %dma_start3A_300 = tpu.memref_squeeze %dma_start3A_299 : memref<1x!tpu.dma_semaphore, #tpu.memory_space<semaphore_mem>> -> memref<!tpu.dma_semaphore, #tpu.memory_space<semaphore_mem>>
          tpu.enqueue_indirect_dma source(%dma_start3A_298 : memref<100000x64xf32, #tpu.memory_space<hbm>>) target(%dma_start3A_290 : memref<128x64xf32, #tpu.memory_space<vmem>>) offsets(%dma_start3A_291 : memref<128xi32, #tpu.memory_space<vmem>>) semaphore(%dma_start3A_300 : memref<!tpu.dma_semaphore, #tpu.memory_space<semaphore_mem>>)
          %mul3A_301 = arith.constant 768 : i32
          %mul3A_302 = arith.muli %sub3A_206, %mul3A_301 : i32
          %add3A_303 = arith.constant 640 : i32
          %add3A_304 = arith.addi %mul3A_302, %add3A_303 : i32
          %dma_start3A_305 = arith.constant 640 : i32
          %dma_start3A_306 = arith.constant 0 : i32
          %dma_start3A_307 = tpu.memref_slice %arg8[%sub3A_206, %dma_start3A_305, %dma_start3A_306] : memref<2x768x64xf32, #tpu.memory_space<vmem>> -> memref<1x128x64xf32, #tpu.memory_space<vmem>>
          %dma_start3A_308 = tpu.memref_squeeze %dma_start3A_307 : memref<1x128x64xf32, #tpu.memory_space<vmem>> -> memref<128x64xf32, #tpu.memory_space<vmem>>
          %dma_start3A_309 = tpu.memref_slice %arg7[%add3A_304] : memref<1536xi32, #tpu.memory_space<vmem>> -> memref<128xi32, #tpu.memory_space<vmem>>
          %dma_start3A_310 = arith.constant 0 : i32
          %dma_start3A_311 = arith.constant 0 : i32
          %dma_start3A_312 = tpu.memref_slice %arg4[%select_n3A, %dma_start3A_310, %dma_start3A_311] : memref<26x100000x64xf32, #tpu.memory_space<hbm>> -> memref<1x100000x64xf32, #tpu.memory_space<hbm>>
          %dma_start3A_313 = tpu.memref_squeeze %dma_start3A_312 : memref<1x100000x64xf32, #tpu.memory_space<hbm>> -> memref<100000x64xf32, #tpu.memory_space<hbm>>
          %dma_start3A_314 = arith.constant 0 : i32
          %dma_start3A_315 = arith.constant 0 : i32
          %dma_start3A_316 = tpu.memref_slice %dma_start3A_313[%dma_start3A_314, %dma_start3A_315] : memref<100000x64xf32, #tpu.memory_space<hbm>> -> memref<100000x64xf32, #tpu.memory_space<hbm>>
          %dma_start3A_317 = tpu.memref_slice %arg10[%sub3A_206] : memref<2x!tpu.dma_semaphore, #tpu.memory_space<semaphore_mem>> -> memref<1x!tpu.dma_semaphore, #tpu.memory_space<semaphore_mem>>
          %dma_start3A_318 = tpu.memref_squeeze %dma_start3A_317 : memref<1x!tpu.dma_semaphore, #tpu.memory_space<semaphore_mem>> -> memref<!tpu.dma_semaphore, #tpu.memory_space<semaphore_mem>>
          tpu.enqueue_indirect_dma source(%dma_start3A_316 : memref<100000x64xf32, #tpu.memory_space<hbm>>) target(%dma_start3A_308 : memref<128x64xf32, #tpu.memory_space<vmem>>) offsets(%dma_start3A_309 : memref<128xi32, #tpu.memory_space<vmem>>) semaphore(%dma_start3A_318 : memref<!tpu.dma_semaphore, #tpu.memory_space<semaphore_mem>>)
        } else {
        }
        %dma_wait3A = arith.constant 0 : i32
        %dma_wait3A_143 = arith.constant 0 : i32
        %dma_wait3A_144 = arith.constant 0 : i32
        %dma_wait3A_145 = tpu.memref_slice %arg8[%rem3A_136, %dma_wait3A_143, %dma_wait3A_144] : memref<2x768x64xf32, #tpu.memory_space<vmem>> -> memref<1x768x64xf32, #tpu.memory_space<vmem>>
        %dma_wait3A_146 = tpu.memref_squeeze %dma_wait3A_145 : memref<1x768x64xf32, #tpu.memory_space<vmem>> -> memref<768x64xf32, #tpu.memory_space<vmem>>
        %dma_wait3A_147 = arith.constant 0 : i32
        %dma_wait3A_148 = arith.constant 0 : i32
        %dma_wait3A_149 = tpu.memref_slice %arg4[%dma_wait3A, %dma_wait3A_147, %dma_wait3A_148] : memref<26x100000x64xf32, #tpu.memory_space<hbm>> -> memref<1x100000x64xf32, #tpu.memory_space<hbm>>
        %dma_wait3A_150 = tpu.memref_squeeze %dma_wait3A_149 : memref<1x100000x64xf32, #tpu.memory_space<hbm>> -> memref<100000x64xf32, #tpu.memory_space<hbm>>
        %dma_wait3A_151 = arith.constant 0 : i32
        %dma_wait3A_152 = arith.constant 0 : i32
        %dma_wait3A_153 = tpu.memref_slice %dma_wait3A_150[%dma_wait3A_151, %dma_wait3A_152] : memref<100000x64xf32, #tpu.memory_space<hbm>> -> memref<768x64xf32, #tpu.memory_space<hbm>>
        %dma_wait3A_154 = tpu.memref_slice %arg10[%rem3A_136] : memref<2x!tpu.dma_semaphore, #tpu.memory_space<semaphore_mem>> -> memref<1x!tpu.dma_semaphore, #tpu.memory_space<semaphore_mem>>
        %dma_wait3A_155 = tpu.memref_squeeze %dma_wait3A_154 : memref<1x!tpu.dma_semaphore, #tpu.memory_space<semaphore_mem>> -> memref<!tpu.dma_semaphore, #tpu.memory_space<semaphore_mem>>
        %dma_wait3A_156 = arith.constant 0 : i32
        %dma_wait3A_157 = arith.constant 0 : i32
        %dma_wait3A_158 = tpu.memref_slice %arg8[%rem3A_136, %dma_wait3A_156, %dma_wait3A_157] : memref<2x768x64xf32, #tpu.memory_space<vmem>> -> memref<1x768x64xf32, #tpu.memory_space<vmem>>
        %dma_wait3A_159 = tpu.memref_squeeze %dma_wait3A_158 : memref<1x768x64xf32, #tpu.memory_space<vmem>> -> memref<768x64xf32, #tpu.memory_space<vmem>>
        %dma_wait3A_160 = arith.constant 0 : i32
        %dma_wait3A_161 = arith.constant 0 : i32
        %dma_wait3A_162 = tpu.memref_slice %arg4[%dma_wait3A, %dma_wait3A_160, %dma_wait3A_161] : memref<26x100000x64xf32, #tpu.memory_space<hbm>> -> memref<1x100000x64xf32, #tpu.memory_space<hbm>>
        %dma_wait3A_163 = tpu.memref_squeeze %dma_wait3A_162 : memref<1x100000x64xf32, #tpu.memory_space<hbm>> -> memref<100000x64xf32, #tpu.memory_space<hbm>>
        %dma_wait3A_164 = arith.constant 0 : i32
        %dma_wait3A_165 = arith.constant 0 : i32
        %dma_wait3A_166 = tpu.memref_slice %dma_wait3A_163[%dma_wait3A_164, %dma_wait3A_165] : memref<100000x64xf32, #tpu.memory_space<hbm>> -> memref<768x64xf32, #tpu.memory_space<hbm>>
        tpu.wait_dma2 semaphore(%dma_wait3A_155 : memref<!tpu.dma_semaphore, #tpu.memory_space<semaphore_mem>>) src(%dma_wait3A_166 : memref<768x64xf32, #tpu.memory_space<hbm>>) dst(%dma_wait3A_159 : memref<768x64xf32, #tpu.memory_space<vmem>>)
        %mul3A_167 = arith.constant 768 : i32
        %mul3A_168 = arith.muli %while3A_129, %mul3A_167 : i32
        %add3A_169 = arith.addi %mul3A_86, %mul3A_168 : i32
        %add3A_170 = arith.constant 768 : i32
        %add3A_171 = arith.addi %add3A_169, %add3A_170 : i32
        %scan3A_172 = arith.constant 256 : i32
        %scan3A_173 = arith.constant 0 : i32
        %scan3A_174 = arith.constant 9 : i32
        %scan3A_175 = arith.addi %scan3A_173, %scan3A_174 : i32
        %scan3A_176 = arith.constant 1 : i32
        %scan3A_177:2 = scf.for %scan3A_203 = %scan3A_173 to %scan3A_175 step %scan3A_176 iter_args(%scan3A_204 = %while3A_130, %scan3A_205 = %scan3A_172) -> (i32, i32)  : i32 {
          %add3A_206 = arith.addi %scan3A_204, %scan3A_205 : i32
          %jit3A_207 = arith.constant 2 : i32
          %div3A_208 = arith.divsi %add3A_206, %jit3A_207 : i32
          %sign3A_209 = arith.constant 0 : i32
          %sign3A_210 = arith.cmpi sgt, %add3A_206, %sign3A_209 : i32
          %sign3A_211 = arith.extui %sign3A_210 : i1 to i32
          %sign3A_212 = arith.constant 0 : i32
          %sign3A_213 = arith.cmpi slt, %add3A_206, %sign3A_212 : i32
          %sign3A_214 = arith.extui %sign3A_213 : i1 to i32
          %sign3A_215 = arith.subi %sign3A_211, %sign3A_214 : i32
          %sign3A_216 = arith.constant 0 : i32
          %sign3A_217 = arith.cmpi sgt, %jit3A_207, %sign3A_216 : i32
          %sign3A_218 = arith.extui %sign3A_217 : i1 to i32
          %sign3A_219 = arith.constant 0 : i32
          %sign3A_220 = arith.cmpi slt, %jit3A_207, %sign3A_219 : i32
          %sign3A_221 = arith.extui %sign3A_220 : i1 to i32
          %sign3A_222 = arith.subi %sign3A_218, %sign3A_221 : i32
          %ne3A_223 = arith.cmpi ne, %sign3A_215, %sign3A_222 : i32
          %rem3A_224 = arith.remsi %add3A_206, %jit3A_207 : i32
          %ne3A_225 = arith.constant 0 : i32
          %ne3A_226 = arith.cmpi ne, %rem3A_224, %ne3A_225 : i32
          %and3A_227 = arith.andi %ne3A_223, %ne3A_226 : i1
          %sub3A_228 = arith.constant 1 : i32
          %sub3A_229 = arith.subi %div3A_208, %sub3A_228 : i32
          %select_n3A_230 = arith.select %and3A_227, %sub3A_229, %div3A_208 : i32
          %get3A_231 = arith.index_cast %select_n3A_230 : i32 to index
          %get3A_232 = tpu.vector_load %arg6[%get3A_231] {strides = array<i32>} : memref<288xi32, #tpu.memory_space<vmem>>, vector<16xi32>,
          %get3A_233 = vector.shape_cast %get3A_232 : vector<16xi32> to vector<16xi32>
          %slice3A_234 = vector.extract_strided_slice %get3A_233 {offsets = [0], sizes = [1], strides = [1]} : vector<16xi32> to vector<1xi32>
          %squeeze3A_235 = vector.extract %slice3A_234[0] : i32 from vector<1xi32>
          %lt3A_236 = arith.cmpi slt, %squeeze3A_235, %add3A_171 : i32
          %add3A_237 = arith.constant 1 : i32
          %add3A_238 = arith.addi %select_n3A_230, %add3A_237 : i32
          %select_n3A_239 = arith.select %lt3A_236, %add3A_238, %scan3A_204 : i32
          %select_n3A_240 = arith.select %lt3A_236, %scan3A_205, %select_n3A_230 : i32
          scf.yield %select_n3A_239, %select_n3A_240 : i32, i32
        }
        %scan3A_178 = arith.constant 9 : i32
        %while3A_179 = arith.subi %scan3A_177#0, %while3A_130 : i32
        %while3A_180 = arith.addi %while3A_130, %while3A_179 : i32
        %while3A_181 = arith.constant 1 : i32
        %while3A_182 = arith.divsi %while3A_179, %while3A_181 : i32
        %while3A_183 = arith.muli %while3A_182, %while3A_181 : i32
        %while3A_184 = arith.addi %while3A_130, %while3A_183 : i32
        %while3A_185 = arith.constant 1 : i32
        %while3A_186:4 = scf.for %while3A_203 = %while3A_130 to %while3A_184 step %while3A_185 iter_args(%while3A_204 = %while3A_131, %while3A_205 = %while3A_132, %while3A_206 = %while3A_133, %while3A_207 = %while3A_134) -> (vector<16xf32>, vector<16xf32>, vector<16xf32>, vector<16xf32>)  : i32 {
          %get3A_208 = arith.index_cast %while3A_203 : i32 to index
          %get3A_209 = tpu.vector_load %arg6[%get3A_208] {strides = array<i32>} : memref<288xi32, #tpu.memory_space<vmem>>, vector<16xi32>,
          %get3A_210 = vector.shape_cast %get3A_209 : vector<16xi32> to vector<16xi32>
          %slice3A_211 = vector.extract_strided_slice %get3A_210 {offsets = [0], sizes = [1], strides = [1]} : vector<16xi32> to vector<1xi32>
          %squeeze3A_212 = vector.extract %slice3A_211[0] : i32 from vector<1xi32>
          %slice3A_213 = vector.extract_strided_slice %get3A_210 {offsets = [1], sizes = [1], strides = [1]} : vector<16xi32> to vector<1xi32>
          %squeeze3A_214 = vector.extract %slice3A_213[0] : i32 from vector<1xi32>
          %max3A_215 = arith.maxsi %squeeze3A_212, %add3A_169 : i32
          %min3A = arith.minsi %squeeze3A_214, %add3A_171 : i32
          %sub3A_216 = arith.subi %max3A_215, %add3A_169 : i32
          %sub3A_217 = arith.subi %min3A, %max3A_215 : i32
          %jit3A_218 = arith.constant 2 : i32
          %div3A_219 = arith.divsi %sub3A_217, %jit3A_218 : i32
          %sign3A_220 = arith.constant 0 : i32
          %sign3A_221 = arith.cmpi sgt, %sub3A_217, %sign3A_220 : i32
          %sign3A_222 = arith.extui %sign3A_221 : i1 to i32
          %sign3A_223 = arith.constant 0 : i32
          %sign3A_224 = arith.cmpi slt, %sub3A_217, %sign3A_223 : i32
          %sign3A_225 = arith.extui %sign3A_224 : i1 to i32
          %sign3A_226 = arith.subi %sign3A_222, %sign3A_225 : i32
          %sign3A_227 = arith.constant 0 : i32
          %sign3A_228 = arith.cmpi sgt, %jit3A_218, %sign3A_227 : i32
          %sign3A_229 = arith.extui %sign3A_228 : i1 to i32
          %sign3A_230 = arith.constant 0 : i32
          %sign3A_231 = arith.cmpi slt, %jit3A_218, %sign3A_230 : i32
          %sign3A_232 = arith.extui %sign3A_231 : i1 to i32
          %sign3A_233 = arith.subi %sign3A_229, %sign3A_232 : i32
          %ne3A_234 = arith.cmpi ne, %sign3A_226, %sign3A_233 : i32
          %rem3A_235 = arith.remsi %sub3A_217, %jit3A_218 : i32
          %ne3A_236 = arith.constant 0 : i32
          %ne3A_237 = arith.cmpi ne, %rem3A_235, %ne3A_236 : i32
          %and3A_238 = arith.andi %ne3A_234, %ne3A_237 : i1
          %sub3A_239 = arith.constant 1 : i32
          %sub3A_240 = arith.subi %div3A_219, %sub3A_239 : i32
          %select_n3A_241 = arith.select %and3A_238, %sub3A_240, %div3A_219 : i32
          %while3A_242 = arith.constant 0 : i32
          %while3A_243 = arith.subi %select_n3A_241, %while3A_242 : i32
          %while3A_244 = arith.addi %while3A_242, %while3A_243 : i32
          %while3A_245 = arith.constant 1 : i32
          %while3A_246 = arith.divsi %while3A_243, %while3A_245 : i32
          %while3A_247 = arith.muli %while3A_246, %while3A_245 : i32
          %while3A_248 = arith.addi %while3A_242, %while3A_247 : i32
          %while3A_249 = arith.constant 1 : i32
          %while3A_250:4 = scf.for %while3A_293 = %while3A_242 to %while3A_248 step %while3A_249 iter_args(%while3A_294 = %while3A_204, %while3A_295 = %while3A_205, %while3A_296 = %while3A_206, %while3A_297 = %while3A_207) -> (vector<16xf32>, vector<16xf32>, vector<16xf32>, vector<16xf32>)  : i32 {
            %mul3A_298 = arith.constant 2 : i32
            %mul3A_299 = arith.muli %mul3A_298, %while3A_293 : i32
            %add3A_300 = arith.addi %sub3A_216, %mul3A_299 : i32
            %get3A_301 = arith.index_cast %rem3A_136 : i32 to index
            %get3A_302 = arith.index_cast %add3A_300 : i32 to index
            %get3A_303 = arith.constant 0 : index
            %get3A_304 = tpu.vector_load %arg8[%get3A_301, %get3A_302, %get3A_303] {strides = array<i32>} : memref<2x768x64xf32, #tpu.memory_space<vmem>>, vector<1x1x16xf32>,
            %get3A_305 = vector.shape_cast %get3A_304 : vector<1x1x16xf32> to vector<16xf32>
            %add3A_306 = arith.constant 1 : i32
            %add3A_307 = arith.addi %add3A_300, %add3A_306 : i32
            %get3A_308 = arith.index_cast %rem3A_136 : i32 to index
            %get3A_309 = arith.index_cast %add3A_307 : i32 to index
            %get3A_310 = arith.constant 0 : index
            %get3A_311 = tpu.vector_load %arg8[%get3A_308, %get3A_309, %get3A_310] {strides = array<i32>} : memref<2x768x64xf32, #tpu.memory_space<vmem>>, vector<1x1x16xf32>,
            %get3A_312 = vector.shape_cast %get3A_311 : vector<1x1x16xf32> to vector<16xf32>
            %add3A_313 = arith.addf %get3A_305, %get3A_312 : vector<16xf32>
            %get3A_314 = arith.index_cast %rem3A_136 : i32 to index
            %get3A_315 = arith.index_cast %add3A_300 : i32 to index
            %get3A_316 = arith.constant 16 : index
            %get3A_317 = tpu.vector_load %arg8[%get3A_314, %get3A_315, %get3A_316] {strides = array<i32>} : memref<2x768x64xf32, #tpu.memory_space<vmem>>, vector<1x1x16xf32>,
            %get3A_318 = vector.shape_cast %get3A_317 : vector<1x1x16xf32> to vector<16xf32>
            %add3A_319 = arith.constant 1 : i32
            %add3A_320 = arith.addi %add3A_300, %add3A_319 : i32
            %get3A_321 = arith.index_cast %rem3A_136 : i32 to index
            %get3A_322 = arith.index_cast %add3A_320 : i32 to index
            %get3A_323 = arith.constant 16 : index
            %get3A_324 = tpu.vector_load %arg8[%get3A_321, %get3A_322, %get3A_323] {strides = array<i32>} : memref<2x768x64xf32, #tpu.memory_space<vmem>>, vector<1x1x16xf32>,
            %get3A_325 = vector.shape_cast %get3A_324 : vector<1x1x16xf32> to vector<16xf32>
            %add3A_326 = arith.addf %get3A_318, %get3A_325 : vector<16xf32>
            %get3A_327 = arith.index_cast %rem3A_136 : i32 to index
            %get3A_328 = arith.index_cast %add3A_300 : i32 to index
            %get3A_329 = arith.constant 32 : index
            %get3A_330 = tpu.vector_load %arg8[%get3A_327, %get3A_328, %get3A_329] {strides = array<i32>} : memref<2x768x64xf32, #tpu.memory_space<vmem>>, vector<1x1x16xf32>,
            %get3A_331 = vector.shape_cast %get3A_330 : vector<1x1x16xf32> to vector<16xf32>
            %add3A_332 = arith.constant 1 : i32
            %add3A_333 = arith.addi %add3A_300, %add3A_332 : i32
            %get3A_334 = arith.index_cast %rem3A_136 : i32 to index
            %get3A_335 = arith.index_cast %add3A_333 : i32 to index
            %get3A_336 = arith.constant 32 : index
            %get3A_337 = tpu.vector_load %arg8[%get3A_334, %get3A_335, %get3A_336] {strides = array<i32>} : memref<2x768x64xf32, #tpu.memory_space<vmem>>, vector<1x1x16xf32>,
            %get3A_338 = vector.shape_cast %get3A_337 : vector<1x1x16xf32> to vector<16xf32>
            %add3A_339 = arith.addf %get3A_331, %get3A_338 : vector<16xf32>
            %get3A_340 = arith.index_cast %rem3A_136 : i32 to index
            %get3A_341 = arith.index_cast %add3A_300 : i32 to index
            %get3A_342 = arith.constant 48 : index
            %get3A_343 = tpu.vector_load %arg8[%get3A_340, %get3A_341, %get3A_342] {strides = array<i32>} : memref<2x768x64xf32, #tpu.memory_space<vmem>>, vector<1x1x16xf32>,
            %get3A_344 = vector.shape_cast %get3A_343 : vector<1x1x16xf32> to vector<16xf32>
            %add3A_345 = arith.constant 1 : i32
            %add3A_346 = arith.addi %add3A_300, %add3A_345 : i32
            %get3A_347 = arith.index_cast %rem3A_136 : i32 to index
            %get3A_348 = arith.index_cast %add3A_346 : i32 to index
            %get3A_349 = arith.constant 48 : index
            %get3A_350 = tpu.vector_load %arg8[%get3A_347, %get3A_348, %get3A_349] {strides = array<i32>} : memref<2x768x64xf32, #tpu.memory_space<vmem>>, vector<1x1x16xf32>,
            %get3A_351 = vector.shape_cast %get3A_350 : vector<1x1x16xf32> to vector<16xf32>
            %add3A_352 = arith.addf %get3A_344, %get3A_351 : vector<16xf32>
            %add3A_353 = arith.addf %while3A_294, %add3A_313 : vector<16xf32>
            %add3A_354 = arith.addf %while3A_295, %add3A_326 : vector<16xf32>
            %add3A_355 = arith.addf %while3A_296, %add3A_339 : vector<16xf32>
            %add3A_356 = arith.addf %while3A_297, %add3A_352 : vector<16xf32>
            scf.yield %add3A_353, %add3A_354, %add3A_355, %add3A_356 : vector<16xf32>, vector<16xf32>, vector<16xf32>, vector<16xf32>
          }
          %while3A_251 = arith.constant 1 : i32
          %while3A_252:4 = scf.for %while3A_293 = %while3A_248 to %while3A_244 step %while3A_251 iter_args(%while3A_294 = %while3A_250#0, %while3A_295 = %while3A_250#1, %while3A_296 = %while3A_250#2, %while3A_297 = %while3A_250#3) -> (vector<16xf32>, vector<16xf32>, vector<16xf32>, vector<16xf32>)  : i32 {
            %mul3A_298 = arith.constant 2 : i32
            %mul3A_299 = arith.muli %mul3A_298, %while3A_293 : i32
            %add3A_300 = arith.addi %sub3A_216, %mul3A_299 : i32
            %get3A_301 = arith.index_cast %rem3A_136 : i32 to index
            %get3A_302 = arith.index_cast %add3A_300 : i32 to index
            %get3A_303 = arith.constant 0 : index
            %get3A_304 = tpu.vector_load %arg8[%get3A_301, %get3A_302, %get3A_303] {strides = array<i32>} : memref<2x768x64xf32, #tpu.memory_space<vmem>>, vector<1x1x16xf32>,
            %get3A_305 = vector.shape_cast %get3A_304 : vector<1x1x16xf32> to vector<16xf32>
            %add3A_306 = arith.constant 1 : i32
            %add3A_307 = arith.addi %add3A_300, %add3A_306 : i32
            %get3A_308 = arith.index_cast %rem3A_136 : i32 to index
            %get3A_309 = arith.index_cast %add3A_307 : i32 to index
            %get3A_310 = arith.constant 0 : index
            %get3A_311 = tpu.vector_load %arg8[%get3A_308, %get3A_309, %get3A_310] {strides = array<i32>} : memref<2x768x64xf32, #tpu.memory_space<vmem>>, vector<1x1x16xf32>,
            %get3A_312 = vector.shape_cast %get3A_311 : vector<1x1x16xf32> to vector<16xf32>
            %add3A_313 = arith.addf %get3A_305, %get3A_312 : vector<16xf32>
            %get3A_314 = arith.index_cast %rem3A_136 : i32 to index
            %get3A_315 = arith.index_cast %add3A_300 : i32 to index
            %get3A_316 = arith.constant 16 : index
            %get3A_317 = tpu.vector_load %arg8[%get3A_314, %get3A_315, %get3A_316] {strides = array<i32>} : memref<2x768x64xf32, #tpu.memory_space<vmem>>, vector<1x1x16xf32>,
            %get3A_318 = vector.shape_cast %get3A_317 : vector<1x1x16xf32> to vector<16xf32>
            %add3A_319 = arith.constant 1 : i32
            %add3A_320 = arith.addi %add3A_300, %add3A_319 : i32
            %get3A_321 = arith.index_cast %rem3A_136 : i32 to index
            %get3A_322 = arith.index_cast %add3A_320 : i32 to index
            %get3A_323 = arith.constant 16 : index
            %get3A_324 = tpu.vector_load %arg8[%get3A_321, %get3A_322, %get3A_323] {strides = array<i32>} : memref<2x768x64xf32, #tpu.memory_space<vmem>>, vector<1x1x16xf32>,
            %get3A_325 = vector.shape_cast %get3A_324 : vector<1x1x16xf32> to vector<16xf32>
            %add3A_326 = arith.addf %get3A_318, %get3A_325 : vector<16xf32>
            %get3A_327 = arith.index_cast %rem3A_136 : i32 to index
            %get3A_328 = arith.index_cast %add3A_300 : i32 to index
            %get3A_329 = arith.constant 32 : index
            %get3A_330 = tpu.vector_load %arg8[%get3A_327, %get3A_328, %get3A_329] {strides = array<i32>} : memref<2x768x64xf32, #tpu.memory_space<vmem>>, vector<1x1x16xf32>,
            %get3A_331 = vector.shape_cast %get3A_330 : vector<1x1x16xf32> to vector<16xf32>
            %add3A_332 = arith.constant 1 : i32
            %add3A_333 = arith.addi %add3A_300, %add3A_332 : i32
            %get3A_334 = arith.index_cast %rem3A_136 : i32 to index
            %get3A_335 = arith.index_cast %add3A_333 : i32 to index
            %get3A_336 = arith.constant 32 : index
            %get3A_337 = tpu.vector_load %arg8[%get3A_334, %get3A_335, %get3A_336] {strides = array<i32>} : memref<2x768x64xf32, #tpu.memory_space<vmem>>, vector<1x1x16xf32>,
            %get3A_338 = vector.shape_cast %get3A_337 : vector<1x1x16xf32> to vector<16xf32>
            %add3A_339 = arith.addf %get3A_331, %get3A_338 : vector<16xf32>
            %get3A_340 = arith.index_cast %rem3A_136 : i32 to index
            %get3A_341 = arith.index_cast %add3A_300 : i32 to index
            %get3A_342 = arith.constant 48 : index
            %get3A_343 = tpu.vector_load %arg8[%get3A_340, %get3A_341, %get3A_342] {strides = array<i32>} : memref<2x768x64xf32, #tpu.memory_space<vmem>>, vector<1x1x16xf32>,
            %get3A_344 = vector.shape_cast %get3A_343 : vector<1x1x16xf32> to vector<16xf32>
            %add3A_345 = arith.constant 1 : i32
            %add3A_346 = arith.addi %add3A_300, %add3A_345 : i32
            %get3A_347 = arith.index_cast %rem3A_136 : i32 to index
            %get3A_348 = arith.index_cast %add3A_346 : i32 to index
            %get3A_349 = arith.constant 48 : index
            %get3A_350 = tpu.vector_load %arg8[%get3A_347, %get3A_348, %get3A_349] {strides = array<i32>} : memref<2x768x64xf32, #tpu.memory_space<vmem>>, vector<1x1x16xf32>,
            %get3A_351 = vector.shape_cast %get3A_350 : vector<1x1x16xf32> to vector<16xf32>
            %add3A_352 = arith.addf %get3A_344, %get3A_351 : vector<16xf32>
            %add3A_353 = arith.addf %while3A_294, %add3A_313 : vector<16xf32>
            %add3A_354 = arith.addf %while3A_295, %add3A_326 : vector<16xf32>
            %add3A_355 = arith.addf %while3A_296, %add3A_339 : vector<16xf32>
            %add3A_356 = arith.addf %while3A_297, %add3A_352 : vector<16xf32>
            scf.yield %add3A_353, %add3A_354, %add3A_355, %add3A_356 : vector<16xf32>, vector<16xf32>, vector<16xf32>, vector<16xf32>
          }
          %mul3A_253 = arith.constant 2 : i32
          %mul3A_254 = arith.muli %mul3A_253, %select_n3A_241 : i32
          %add3A_255 = arith.addi %max3A_215, %mul3A_254 : i32
          %while3A_256 = arith.subi %min3A, %add3A_255 : i32
          %while3A_257 = arith.addi %add3A_255, %while3A_256 : i32
          %while3A_258 = arith.constant 1 : i32
          %while3A_259 = arith.divsi %while3A_256, %while3A_258 : i32
          %while3A_260 = arith.muli %while3A_259, %while3A_258 : i32
          %while3A_261 = arith.addi %add3A_255, %while3A_260 : i32
          %while3A_262 = arith.constant 1 : i32
          %while3A_263:4 = scf.for %while3A_293 = %add3A_255 to %while3A_261 step %while3A_262 iter_args(%while3A_294 = %while3A_252#0, %while3A_295 = %while3A_252#1, %while3A_296 = %while3A_252#2, %while3A_297 = %while3A_252#3) -> (vector<16xf32>, vector<16xf32>, vector<16xf32>, vector<16xf32>)  : i32 {
            %sub3A_298 = arith.subi %while3A_293, %add3A_169 : i32
            %get3A_299 = arith.index_cast %rem3A_136 : i32 to index
            %get3A_300 = arith.index_cast %sub3A_298 : i32 to index
            %get3A_301 = arith.constant 0 : index
            %get3A_302 = tpu.vector_load %arg8[%get3A_299, %get3A_300, %get3A_301] {strides = array<i32>} : memref<2x768x64xf32, #tpu.memory_space<vmem>>, vector<1x1x16xf32>,
            %get3A_303 = vector.shape_cast %get3A_302 : vector<1x1x16xf32> to vector<16xf32>
            %add3A_304 = arith.addf %while3A_294, %get3A_303 : vector<16xf32>
            %get3A_305 = arith.index_cast %rem3A_136 : i32 to index
            %get3A_306 = arith.index_cast %sub3A_298 : i32 to index
            %get3A_307 = arith.constant 16 : index
            %get3A_308 = tpu.vector_load %arg8[%get3A_305, %get3A_306, %get3A_307] {strides = array<i32>} : memref<2x768x64xf32, #tpu.memory_space<vmem>>, vector<1x1x16xf32>,
            %get3A_309 = vector.shape_cast %get3A_308 : vector<1x1x16xf32> to vector<16xf32>
            %add3A_310 = arith.addf %while3A_295, %get3A_309 : vector<16xf32>
            %get3A_311 = arith.index_cast %rem3A_136 : i32 to index
            %get3A_312 = arith.index_cast %sub3A_298 : i32 to index
            %get3A_313 = arith.constant 32 : index
            %get3A_314 = tpu.vector_load %arg8[%get3A_311, %get3A_312, %get3A_313] {strides = array<i32>} : memref<2x768x64xf32, #tpu.memory_space<vmem>>, vector<1x1x16xf32>,
            %get3A_315 = vector.shape_cast %get3A_314 : vector<1x1x16xf32> to vector<16xf32>
            %add3A_316 = arith.addf %while3A_296, %get3A_315 : vector<16xf32>
            %get3A_317 = arith.index_cast %rem3A_136 : i32 to index
            %get3A_318 = arith.index_cast %sub3A_298 : i32 to index
            %get3A_319 = arith.constant 48 : index
            %get3A_320 = tpu.vector_load %arg8[%get3A_317, %get3A_318, %get3A_319] {strides = array<i32>} : memref<2x768x64xf32, #tpu.memory_space<vmem>>, vector<1x1x16xf32>,
            %get3A_321 = vector.shape_cast %get3A_320 : vector<1x1x16xf32> to vector<16xf32>
            %add3A_322 = arith.addf %while3A_297, %get3A_321 : vector<16xf32>
            scf.yield %add3A_304, %add3A_310, %add3A_316, %add3A_322 : vector<16xf32>, vector<16xf32>, vector<16xf32>, vector<16xf32>
          }
          %while3A_264 = arith.constant 1 : i32
          %while3A_265:4 = scf.for %while3A_293 = %while3A_261 to %while3A_257 step %while3A_264 iter_args(%while3A_294 = %while3A_263#0, %while3A_295 = %while3A_263#1, %while3A_296 = %while3A_263#2, %while3A_297 = %while3A_263#3) -> (vector<16xf32>, vector<16xf32>, vector<16xf32>, vector<16xf32>)  : i32 {
            %sub3A_298 = arith.subi %while3A_293, %add3A_169 : i32
            %get3A_299 = arith.index_cast %rem3A_136 : i32 to index
            %get3A_300 = arith.index_cast %sub3A_298 : i32 to index
            %get3A_301 = arith.constant 0 : index
            %get3A_302 = tpu.vector_load %arg8[%get3A_299, %get3A_300, %get3A_301] {strides = array<i32>} : memref<2x768x64xf32, #tpu.memory_space<vmem>>, vector<1x1x16xf32>,
            %get3A_303 = vector.shape_cast %get3A_302 : vector<1x1x16xf32> to vector<16xf32>
            %add3A_304 = arith.addf %while3A_294, %get3A_303 : vector<16xf32>
            %get3A_305 = arith.index_cast %rem3A_136 : i32 to index
            %get3A_306 = arith.index_cast %sub3A_298 : i32 to index
            %get3A_307 = arith.constant 16 : index
            %get3A_308 = tpu.vector_load %arg8[%get3A_305, %get3A_306, %get3A_307] {strides = array<i32>} : memref<2x768x64xf32, #tpu.memory_space<vmem>>, vector<1x1x16xf32>,
            %get3A_309 = vector.shape_cast %get3A_308 : vector<1x1x16xf32> to vector<16xf32>
            %add3A_310 = arith.addf %while3A_295, %get3A_309 : vector<16xf32>
            %get3A_311 = arith.index_cast %rem3A_136 : i32 to index
            %get3A_312 = arith.index_cast %sub3A_298 : i32 to index
            %get3A_313 = arith.constant 32 : index
            %get3A_314 = tpu.vector_load %arg8[%get3A_311, %get3A_312, %get3A_313] {strides = array<i32>} : memref<2x768x64xf32, #tpu.memory_space<vmem>>, vector<1x1x16xf32>,
            %get3A_315 = vector.shape_cast %get3A_314 : vector<1x1x16xf32> to vector<16xf32>
            %add3A_316 = arith.addf %while3A_296, %get3A_315 : vector<16xf32>
            %get3A_317 = arith.index_cast %rem3A_136 : i32 to index
            %get3A_318 = arith.index_cast %sub3A_298 : i32 to index
            %get3A_319 = arith.constant 48 : index
            %get3A_320 = tpu.vector_load %arg8[%get3A_317, %get3A_318, %get3A_319] {strides = array<i32>} : memref<2x768x64xf32, #tpu.memory_space<vmem>>, vector<1x1x16xf32>,
            %get3A_321 = vector.shape_cast %get3A_320 : vector<1x1x16xf32> to vector<16xf32>
            %add3A_322 = arith.addf %while3A_297, %get3A_321 : vector<16xf32>
            scf.yield %add3A_304, %add3A_310, %add3A_316, %add3A_322 : vector<16xf32>, vector<16xf32>, vector<16xf32>, vector<16xf32>
          }
          %le3A = arith.cmpi sle, %squeeze3A_214, %add3A_171 : i32
          %jit3A_266 = arith.constant 256 : i32
          %select_n3A_267 = arith.select %le3A, %while3A_203, %jit3A_266 : i32
          %swap3A = arith.index_cast %select_n3A_267 : i32 to index
          %swap3A_268 = arith.constant 0 : index
          %swap3A_269 = tpu.vector_load %arg9[%swap3A, %swap3A_268] {strides = array<i32>} : memref<257x64xf32, #tpu.memory_space<vmem>>, vector<1x16xf32>,
          %swap3A_270 = vector.shape_cast %swap3A_269 : vector<1x16xf32> to vector<16xf32>
          %swap3A_271 = vector.shape_cast %while3A_265#0 : vector<16xf32> to vector<1x16xf32>
          tpu.vector_store %arg9[%swap3A, %swap3A_268], %swap3A_271 {strides = array<i32>} : memref<257x64xf32, #tpu.memory_space<vmem>>, vector<1x16xf32>,
          %swap3A_272 = arith.index_cast %select_n3A_267 : i32 to index
          %swap3A_273 = arith.constant 16 : index
          %swap3A_274 = tpu.vector_load %arg9[%swap3A_272, %swap3A_273] {strides = array<i32>} : memref<257x64xf32, #tpu.memory_space<vmem>>, vector<1x16xf32>,
          %swap3A_275 = vector.shape_cast %swap3A_274 : vector<1x16xf32> to vector<16xf32>
          %swap3A_276 = vector.shape_cast %while3A_265#1 : vector<16xf32> to vector<1x16xf32>
          tpu.vector_store %arg9[%swap3A_272, %swap3A_273], %swap3A_276 {strides = array<i32>} : memref<257x64xf32, #tpu.memory_space<vmem>>, vector<1x16xf32>,
          %swap3A_277 = arith.index_cast %select_n3A_267 : i32 to index
          %swap3A_278 = arith.constant 32 : index
          %swap3A_279 = tpu.vector_load %arg9[%swap3A_277, %swap3A_278] {strides = array<i32>} : memref<257x64xf32, #tpu.memory_space<vmem>>, vector<1x16xf32>,
          %swap3A_280 = vector.shape_cast %swap3A_279 : vector<1x16xf32> to vector<16xf32>
          %swap3A_281 = vector.shape_cast %while3A_265#2 : vector<16xf32> to vector<1x16xf32>
          tpu.vector_store %arg9[%swap3A_277, %swap3A_278], %swap3A_281 {strides = array<i32>} : memref<257x64xf32, #tpu.memory_space<vmem>>, vector<1x16xf32>,
          %swap3A_282 = arith.index_cast %select_n3A_267 : i32 to index
          %swap3A_283 = arith.constant 48 : index
          %swap3A_284 = tpu.vector_load %arg9[%swap3A_282, %swap3A_283] {strides = array<i32>} : memref<257x64xf32, #tpu.memory_space<vmem>>, vector<1x16xf32>,
          %swap3A_285 = vector.shape_cast %swap3A_284 : vector<1x16xf32> to vector<16xf32>
          %swap3A_286 = vector.shape_cast %while3A_265#3 : vector<16xf32> to vector<1x16xf32>
          tpu.vector_store %arg9[%swap3A_282, %swap3A_283], %swap3A_286 {strides = array<i32>} : memref<257x64xf32, #tpu.memory_space<vmem>>, vector<1x16xf32>,
          %broadcast_in_dim3A_287 = arith.constant 0.000000e+00 : f32
          %broadcast_in_dim3A_288 = vector.broadcast %broadcast_in_dim3A_287 : f32 to vector<16xf32>
          %select_n3A_289 = arith.select %le3A, %broadcast_in_dim3A_288, %while3A_265#0 : vector<16xf32>
          %select_n3A_290 = arith.select %le3A, %broadcast_in_dim3A_288, %while3A_265#1 : vector<16xf32>
          %select_n3A_291 = arith.select %le3A, %broadcast_in_dim3A_288, %while3A_265#2 : vector<16xf32>
          %select_n3A_292 = arith.select %le3A, %broadcast_in_dim3A_288, %while3A_265#3 : vector<16xf32>
          scf.yield %select_n3A_289, %select_n3A_290, %select_n3A_291, %select_n3A_292 : vector<16xf32>, vector<16xf32>, vector<16xf32>, vector<16xf32>
        }
        %while3A_187 = arith.constant 1 : i32
        %while3A_188:4 = scf.for %while3A_203 = %while3A_184 to %while3A_180 step %while3A_187 iter_args(%while3A_204 = %while3A_186#0, %while3A_205 = %while3A_186#1, %while3A_206 = %while3A_186#2, %while3A_207 = %while3A_186#3) -> (vector<16xf32>, vector<16xf32>, vector<16xf32>, vector<16xf32>)  : i32 {
          %get3A_208 = arith.index_cast %while3A_203 : i32 to index
          %get3A_209 = tpu.vector_load %arg6[%get3A_208] {strides = array<i32>} : memref<288xi32, #tpu.memory_space<vmem>>, vector<16xi32>,
          %get3A_210 = vector.shape_cast %get3A_209 : vector<16xi32> to vector<16xi32>
          %slice3A_211 = vector.extract_strided_slice %get3A_210 {offsets = [0], sizes = [1], strides = [1]} : vector<16xi32> to vector<1xi32>
          %squeeze3A_212 = vector.extract %slice3A_211[0] : i32 from vector<1xi32>
          %slice3A_213 = vector.extract_strided_slice %get3A_210 {offsets = [1], sizes = [1], strides = [1]} : vector<16xi32> to vector<1xi32>
          %squeeze3A_214 = vector.extract %slice3A_213[0] : i32 from vector<1xi32>
          %max3A_215 = arith.maxsi %squeeze3A_212, %add3A_169 : i32
          %min3A = arith.minsi %squeeze3A_214, %add3A_171 : i32
          %sub3A_216 = arith.subi %max3A_215, %add3A_169 : i32
          %sub3A_217 = arith.subi %min3A, %max3A_215 : i32
          %jit3A_218 = arith.constant 2 : i32
          %div3A_219 = arith.divsi %sub3A_217, %jit3A_218 : i32
          %sign3A_220 = arith.constant 0 : i32
          %sign3A_221 = arith.cmpi sgt, %sub3A_217, %sign3A_220 : i32
          %sign3A_222 = arith.extui %sign3A_221 : i1 to i32
          %sign3A_223 = arith.constant 0 : i32
          %sign3A_224 = arith.cmpi slt, %sub3A_217, %sign3A_223 : i32
          %sign3A_225 = arith.extui %sign3A_224 : i1 to i32
          %sign3A_226 = arith.subi %sign3A_222, %sign3A_225 : i32
          %sign3A_227 = arith.constant 0 : i32
          %sign3A_228 = arith.cmpi sgt, %jit3A_218, %sign3A_227 : i32
          %sign3A_229 = arith.extui %sign3A_228 : i1 to i32
          %sign3A_230 = arith.constant 0 : i32
          %sign3A_231 = arith.cmpi slt, %jit3A_218, %sign3A_230 : i32
          %sign3A_232 = arith.extui %sign3A_231 : i1 to i32
          %sign3A_233 = arith.subi %sign3A_229, %sign3A_232 : i32
          %ne3A_234 = arith.cmpi ne, %sign3A_226, %sign3A_233 : i32
          %rem3A_235 = arith.remsi %sub3A_217, %jit3A_218 : i32
          %ne3A_236 = arith.constant 0 : i32
          %ne3A_237 = arith.cmpi ne, %rem3A_235, %ne3A_236 : i32
          %and3A_238 = arith.andi %ne3A_234, %ne3A_237 : i1
          %sub3A_239 = arith.constant 1 : i32
          %sub3A_240 = arith.subi %div3A_219, %sub3A_239 : i32
          %select_n3A_241 = arith.select %and3A_238, %sub3A_240, %div3A_219 : i32
          %while3A_242 = arith.constant 0 : i32
          %while3A_243 = arith.subi %select_n3A_241, %while3A_242 : i32
          %while3A_244 = arith.addi %while3A_242, %while3A_243 : i32
          %while3A_245 = arith.constant 1 : i32
          %while3A_246 = arith.divsi %while3A_243, %while3A_245 : i32
          %while3A_247 = arith.muli %while3A_246, %while3A_245 : i32
          %while3A_248 = arith.addi %while3A_242, %while3A_247 : i32
          %while3A_249 = arith.constant 1 : i32
          %while3A_250:4 = scf.for %while3A_293 = %while3A_242 to %while3A_248 step %while3A_249 iter_args(%while3A_294 = %while3A_204, %while3A_295 = %while3A_205, %while3A_296 = %while3A_206, %while3A_297 = %while3A_207) -> (vector<16xf32>, vector<16xf32>, vector<16xf32>, vector<16xf32>)  : i32 {
            %mul3A_298 = arith.constant 2 : i32
            %mul3A_299 = arith.muli %mul3A_298, %while3A_293 : i32
            %add3A_300 = arith.addi %sub3A_216, %mul3A_299 : i32
            %get3A_301 = arith.index_cast %rem3A_136 : i32 to index
            %get3A_302 = arith.index_cast %add3A_300 : i32 to index
            %get3A_303 = arith.constant 0 : index
            %get3A_304 = tpu.vector_load %arg8[%get3A_301, %get3A_302, %get3A_303] {strides = array<i32>} : memref<2x768x64xf32, #tpu.memory_space<vmem>>, vector<1x1x16xf32>,
            %get3A_305 = vector.shape_cast %get3A_304 : vector<1x1x16xf32> to vector<16xf32>
            %add3A_306 = arith.constant 1 : i32
            %add3A_307 = arith.addi %add3A_300, %add3A_306 : i32
            %get3A_308 = arith.index_cast %rem3A_136 : i32 to index
            %get3A_309 = arith.index_cast %add3A_307 : i32 to index
            %get3A_310 = arith.constant 0 : index
            %get3A_311 = tpu.vector_load %arg8[%get3A_308, %get3A_309, %get3A_310] {strides = array<i32>} : memref<2x768x64xf32, #tpu.memory_space<vmem>>, vector<1x1x16xf32>,
            %get3A_312 = vector.shape_cast %get3A_311 : vector<1x1x16xf32> to vector<16xf32>
            %add3A_313 = arith.addf %get3A_305, %get3A_312 : vector<16xf32>
            %get3A_314 = arith.index_cast %rem3A_136 : i32 to index
            %get3A_315 = arith.index_cast %add3A_300 : i32 to index
            %get3A_316 = arith.constant 16 : index
            %get3A_317 = tpu.vector_load %arg8[%get3A_314, %get3A_315, %get3A_316] {strides = array<i32>} : memref<2x768x64xf32, #tpu.memory_space<vmem>>, vector<1x1x16xf32>,
            %get3A_318 = vector.shape_cast %get3A_317 : vector<1x1x16xf32> to vector<16xf32>
            %add3A_319 = arith.constant 1 : i32
            %add3A_320 = arith.addi %add3A_300, %add3A_319 : i32
            %get3A_321 = arith.index_cast %rem3A_136 : i32 to index
            %get3A_322 = arith.index_cast %add3A_320 : i32 to index
            %get3A_323 = arith.constant 16 : index
            %get3A_324 = tpu.vector_load %arg8[%get3A_321, %get3A_322, %get3A_323] {strides = array<i32>} : memref<2x768x64xf32, #tpu.memory_space<vmem>>, vector<1x1x16xf32>,
            %get3A_325 = vector.shape_cast %get3A_324 : vector<1x1x16xf32> to vector<16xf32>
            %add3A_326 = arith.addf %get3A_318, %get3A_325 : vector<16xf32>
            %get3A_327 = arith.index_cast %rem3A_136 : i32 to index
            %get3A_328 = arith.index_cast %add3A_300 : i32 to index
            %get3A_329 = arith.constant 32 : index
            %get3A_330 = tpu.vector_load %arg8[%get3A_327, %get3A_328, %get3A_329] {strides = array<i32>} : memref<2x768x64xf32, #tpu.memory_space<vmem>>, vector<1x1x16xf32>,
            %get3A_331 = vector.shape_cast %get3A_330 : vector<1x1x16xf32> to vector<16xf32>
            %add3A_332 = arith.constant 1 : i32
            %add3A_333 = arith.addi %add3A_300, %add3A_332 : i32
            %get3A_334 = arith.index_cast %rem3A_136 : i32 to index
            %get3A_335 = arith.index_cast %add3A_333 : i32 to index
            %get3A_336 = arith.constant 32 : index
            %get3A_337 = tpu.vector_load %arg8[%get3A_334, %get3A_335, %get3A_336] {strides = array<i32>} : memref<2x768x64xf32, #tpu.memory_space<vmem>>, vector<1x1x16xf32>,
            %get3A_338 = vector.shape_cast %get3A_337 : vector<1x1x16xf32> to vector<16xf32>
            %add3A_339 = arith.addf %get3A_331, %get3A_338 : vector<16xf32>
            %get3A_340 = arith.index_cast %rem3A_136 : i32 to index
            %get3A_341 = arith.index_cast %add3A_300 : i32 to index
            %get3A_342 = arith.constant 48 : index
            %get3A_343 = tpu.vector_load %arg8[%get3A_340, %get3A_341, %get3A_342] {strides = array<i32>} : memref<2x768x64xf32, #tpu.memory_space<vmem>>, vector<1x1x16xf32>,
            %get3A_344 = vector.shape_cast %get3A_343 : vector<1x1x16xf32> to vector<16xf32>
            %add3A_345 = arith.constant 1 : i32
            %add3A_346 = arith.addi %add3A_300, %add3A_345 : i32
            %get3A_347 = arith.index_cast %rem3A_136 : i32 to index
            %get3A_348 = arith.index_cast %add3A_346 : i32 to index
            %get3A_349 = arith.constant 48 : index
            %get3A_350 = tpu.vector_load %arg8[%get3A_347, %get3A_348, %get3A_349] {strides = array<i32>} : memref<2x768x64xf32, #tpu.memory_space<vmem>>, vector<1x1x16xf32>,
            %get3A_351 = vector.shape_cast %get3A_350 : vector<1x1x16xf32> to vector<16xf32>
            %add3A_352 = arith.addf %get3A_344, %get3A_351 : vector<16xf32>
            %add3A_353 = arith.addf %while3A_294, %add3A_313 : vector<16xf32>
            %add3A_354 = arith.addf %while3A_295, %add3A_326 : vector<16xf32>
            %add3A_355 = arith.addf %while3A_296, %add3A_339 : vector<16xf32>
            %add3A_356 = arith.addf %while3A_297, %add3A_352 : vector<16xf32>
            scf.yield %add3A_353, %add3A_354, %add3A_355, %add3A_356 : vector<16xf32>, vector<16xf32>, vector<16xf32>, vector<16xf32>
          }
          %while3A_251 = arith.constant 1 : i32
          %while3A_252:4 = scf.for %while3A_293 = %while3A_248 to %while3A_244 step %while3A_251 iter_args(%while3A_294 = %while3A_250#0, %while3A_295 = %while3A_250#1, %while3A_296 = %while3A_250#2, %while3A_297 = %while3A_250#3) -> (vector<16xf32>, vector<16xf32>, vector<16xf32>, vector<16xf32>)  : i32 {
            %mul3A_298 = arith.constant 2 : i32
            %mul3A_299 = arith.muli %mul3A_298, %while3A_293 : i32
            %add3A_300 = arith.addi %sub3A_216, %mul3A_299 : i32
            %get3A_301 = arith.index_cast %rem3A_136 : i32 to index
            %get3A_302 = arith.index_cast %add3A_300 : i32 to index
            %get3A_303 = arith.constant 0 : index
            %get3A_304 = tpu.vector_load %arg8[%get3A_301, %get3A_302, %get3A_303] {strides = array<i32>} : memref<2x768x64xf32, #tpu.memory_space<vmem>>, vector<1x1x16xf32>,
            %get3A_305 = vector.shape_cast %get3A_304 : vector<1x1x16xf32> to vector<16xf32>
            %add3A_306 = arith.constant 1 : i32
            %add3A_307 = arith.addi %add3A_300, %add3A_306 : i32
            %get3A_308 = arith.index_cast %rem3A_136 : i32 to index
            %get3A_309 = arith.index_cast %add3A_307 : i32 to index
            %get3A_310 = arith.constant 0 : index
            %get3A_311 = tpu.vector_load %arg8[%get3A_308, %get3A_309, %get3A_310] {strides = array<i32>} : memref<2x768x64xf32, #tpu.memory_space<vmem>>, vector<1x1x16xf32>,
            %get3A_312 = vector.shape_cast %get3A_311 : vector<1x1x16xf32> to vector<16xf32>
            %add3A_313 = arith.addf %get3A_305, %get3A_312 : vector<16xf32>
            %get3A_314 = arith.index_cast %rem3A_136 : i32 to index
            %get3A_315 = arith.index_cast %add3A_300 : i32 to index
            %get3A_316 = arith.constant 16 : index
            %get3A_317 = tpu.vector_load %arg8[%get3A_314, %get3A_315, %get3A_316] {strides = array<i32>} : memref<2x768x64xf32, #tpu.memory_space<vmem>>, vector<1x1x16xf32>,
            %get3A_318 = vector.shape_cast %get3A_317 : vector<1x1x16xf32> to vector<16xf32>
            %add3A_319 = arith.constant 1 : i32
            %add3A_320 = arith.addi %add3A_300, %add3A_319 : i32
            %get3A_321 = arith.index_cast %rem3A_136 : i32 to index
            %get3A_322 = arith.index_cast %add3A_320 : i32 to index
            %get3A_323 = arith.constant 16 : index
            %get3A_324 = tpu.vector_load %arg8[%get3A_321, %get3A_322, %get3A_323] {strides = array<i32>} : memref<2x768x64xf32, #tpu.memory_space<vmem>>, vector<1x1x16xf32>,
            %get3A_325 = vector.shape_cast %get3A_324 : vector<1x1x16xf32> to vector<16xf32>
            %add3A_326 = arith.addf %get3A_318, %get3A_325 : vector<16xf32>
            %get3A_327 = arith.index_cast %rem3A_136 : i32 to index
            %get3A_328 = arith.index_cast %add3A_300 : i32 to index
            %get3A_329 = arith.constant 32 : index
            %get3A_330 = tpu.vector_load %arg8[%get3A_327, %get3A_328, %get3A_329] {strides = array<i32>} : memref<2x768x64xf32, #tpu.memory_space<vmem>>, vector<1x1x16xf32>,
            %get3A_331 = vector.shape_cast %get3A_330 : vector<1x1x16xf32> to vector<16xf32>
            %add3A_332 = arith.constant 1 : i32
            %add3A_333 = arith.addi %add3A_300, %add3A_332 : i32
            %get3A_334 = arith.index_cast %rem3A_136 : i32 to index
            %get3A_335 = arith.index_cast %add3A_333 : i32 to index
            %get3A_336 = arith.constant 32 : index
            %get3A_337 = tpu.vector_load %arg8[%get3A_334, %get3A_335, %get3A_336] {strides = array<i32>} : memref<2x768x64xf32, #tpu.memory_space<vmem>>, vector<1x1x16xf32>,
            %get3A_338 = vector.shape_cast %get3A_337 : vector<1x1x16xf32> to vector<16xf32>
            %add3A_339 = arith.addf %get3A_331, %get3A_338 : vector<16xf32>
            %get3A_340 = arith.index_cast %rem3A_136 : i32 to index
            %get3A_341 = arith.index_cast %add3A_300 : i32 to index
            %get3A_342 = arith.constant 48 : index
            %get3A_343 = tpu.vector_load %arg8[%get3A_340, %get3A_341, %get3A_342] {strides = array<i32>} : memref<2x768x64xf32, #tpu.memory_space<vmem>>, vector<1x1x16xf32>,
            %get3A_344 = vector.shape_cast %get3A_343 : vector<1x1x16xf32> to vector<16xf32>
            %add3A_345 = arith.constant 1 : i32
            %add3A_346 = arith.addi %add3A_300, %add3A_345 : i32
            %get3A_347 = arith.index_cast %rem3A_136 : i32 to index
            %get3A_348 = arith.index_cast %add3A_346 : i32 to index
            %get3A_349 = arith.constant 48 : index
            %get3A_350 = tpu.vector_load %arg8[%get3A_347, %get3A_348, %get3A_349] {strides = array<i32>} : memref<2x768x64xf32, #tpu.memory_space<vmem>>, vector<1x1x16xf32>,
            %get3A_351 = vector.shape_cast %get3A_350 : vector<1x1x16xf32> to vector<16xf32>
            %add3A_352 = arith.addf %get3A_344, %get3A_351 : vector<16xf32>
            %add3A_353 = arith.addf %while3A_294, %add3A_313 : vector<16xf32>
            %add3A_354 = arith.addf %while3A_295, %add3A_326 : vector<16xf32>
            %add3A_355 = arith.addf %while3A_296, %add3A_339 : vector<16xf32>
            %add3A_356 = arith.addf %while3A_297, %add3A_352 : vector<16xf32>
            scf.yield %add3A_353, %add3A_354, %add3A_355, %add3A_356 : vector<16xf32>, vector<16xf32>, vector<16xf32>, vector<16xf32>
          }
          %mul3A_253 = arith.constant 2 : i32
          %mul3A_254 = arith.muli %mul3A_253, %select_n3A_241 : i32
          %add3A_255 = arith.addi %max3A_215, %mul3A_254 : i32
          %while3A_256 = arith.subi %min3A, %add3A_255 : i32
          %while3A_257 = arith.addi %add3A_255, %while3A_256 : i32
          %while3A_258 = arith.constant 1 : i32
          %while3A_259 = arith.divsi %while3A_256, %while3A_258 : i32
          %while3A_260 = arith.muli %while3A_259, %while3A_258 : i32
          %while3A_261 = arith.addi %add3A_255, %while3A_260 : i32
          %while3A_262 = arith.constant 1 : i32
          %while3A_263:4 = scf.for %while3A_293 = %add3A_255 to %while3A_261 step %while3A_262 iter_args(%while3A_294 = %while3A_252#0, %while3A_295 = %while3A_252#1, %while3A_296 = %while3A_252#2, %while3A_297 = %while3A_252#3) -> (vector<16xf32>, vector<16xf32>, vector<16xf32>, vector<16xf32>)  : i32 {
            %sub3A_298 = arith.subi %while3A_293, %add3A_169 : i32
            %get3A_299 = arith.index_cast %rem3A_136 : i32 to index
            %get3A_300 = arith.index_cast %sub3A_298 : i32 to index
            %get3A_301 = arith.constant 0 : index
            %get3A_302 = tpu.vector_load %arg8[%get3A_299, %get3A_300, %get3A_301] {strides = array<i32>} : memref<2x768x64xf32, #tpu.memory_space<vmem>>, vector<1x1x16xf32>,
            %get3A_303 = vector.shape_cast %get3A_302 : vector<1x1x16xf32> to vector<16xf32>
            %add3A_304 = arith.addf %while3A_294, %get3A_303 : vector<16xf32>
            %get3A_305 = arith.index_cast %rem3A_136 : i32 to index
            %get3A_306 = arith.index_cast %sub3A_298 : i32 to index
            %get3A_307 = arith.constant 16 : index
            %get3A_308 = tpu.vector_load %arg8[%get3A_305, %get3A_306, %get3A_307] {strides = array<i32>} : memref<2x768x64xf32, #tpu.memory_space<vmem>>, vector<1x1x16xf32>,
            %get3A_309 = vector.shape_cast %get3A_308 : vector<1x1x16xf32> to vector<16xf32>
            %add3A_310 = arith.addf %while3A_295, %get3A_309 : vector<16xf32>
            %get3A_311 = arith.index_cast %rem3A_136 : i32 to index
            %get3A_312 = arith.index_cast %sub3A_298 : i32 to index
            %get3A_313 = arith.constant 32 : index
            %get3A_314 = tpu.vector_load %arg8[%get3A_311, %get3A_312, %get3A_313] {strides = array<i32>} : memref<2x768x64xf32, #tpu.memory_space<vmem>>, vector<1x1x16xf32>,
            %get3A_315 = vector.shape_cast %get3A_314 : vector<1x1x16xf32> to vector<16xf32>
            %add3A_316 = arith.addf %while3A_296, %get3A_315 : vector<16xf32>
            %get3A_317 = arith.index_cast %rem3A_136 : i32 to index
            %get3A_318 = arith.index_cast %sub3A_298 : i32 to index
            %get3A_319 = arith.constant 48 : index
            %get3A_320 = tpu.vector_load %arg8[%get3A_317, %get3A_318, %get3A_319] {strides = array<i32>} : memref<2x768x64xf32, #tpu.memory_space<vmem>>, vector<1x1x16xf32>,
            %get3A_321 = vector.shape_cast %get3A_320 : vector<1x1x16xf32> to vector<16xf32>
            %add3A_322 = arith.addf %while3A_297, %get3A_321 : vector<16xf32>
            scf.yield %add3A_304, %add3A_310, %add3A_316, %add3A_322 : vector<16xf32>, vector<16xf32>, vector<16xf32>, vector<16xf32>
          }
          %while3A_264 = arith.constant 1 : i32
          %while3A_265:4 = scf.for %while3A_293 = %while3A_261 to %while3A_257 step %while3A_264 iter_args(%while3A_294 = %while3A_263#0, %while3A_295 = %while3A_263#1, %while3A_296 = %while3A_263#2, %while3A_297 = %while3A_263#3) -> (vector<16xf32>, vector<16xf32>, vector<16xf32>, vector<16xf32>)  : i32 {
            %sub3A_298 = arith.subi %while3A_293, %add3A_169 : i32
            %get3A_299 = arith.index_cast %rem3A_136 : i32 to index
            %get3A_300 = arith.index_cast %sub3A_298 : i32 to index
            %get3A_301 = arith.constant 0 : index
            %get3A_302 = tpu.vector_load %arg8[%get3A_299, %get3A_300, %get3A_301] {strides = array<i32>} : memref<2x768x64xf32, #tpu.memory_space<vmem>>, vector<1x1x16xf32>,
            %get3A_303 = vector.shape_cast %get3A_302 : vector<1x1x16xf32> to vector<16xf32>
            %add3A_304 = arith.addf %while3A_294, %get3A_303 : vector<16xf32>
            %get3A_305 = arith.index_cast %rem3A_136 : i32 to index
            %get3A_306 = arith.index_cast %sub3A_298 : i32 to index
            %get3A_307 = arith.constant 16 : index
            %get3A_308 = tpu.vector_load %arg8[%get3A_305, %get3A_306, %get3A_307] {strides = array<i32>} : memref<2x768x64xf32, #tpu.memory_space<vmem>>, vector<1x1x16xf32>,
            %get3A_309 = vector.shape_cast %get3A_308 : vector<1x1x16xf32> to vector<16xf32>
            %add3A_310 = arith.addf %while3A_295, %get3A_309 : vector<16xf32>
            %get3A_311 = arith.index_cast %rem3A_136 : i32 to index
            %get3A_312 = arith.index_cast %sub3A_298 : i32 to index
            %get3A_313 = arith.constant 32 : index
            %get3A_314 = tpu.vector_load %arg8[%get3A_311, %get3A_312, %get3A_313] {strides = array<i32>} : memref<2x768x64xf32, #tpu.memory_space<vmem>>, vector<1x1x16xf32>,
            %get3A_315 = vector.shape_cast %get3A_314 : vector<1x1x16xf32> to vector<16xf32>
            %add3A_316 = arith.addf %while3A_296, %get3A_315 : vector<16xf32>
            %get3A_317 = arith.index_cast %rem3A_136 : i32 to index
            %get3A_318 = arith.index_cast %sub3A_298 : i32 to index
            %get3A_319 = arith.constant 48 : index
            %get3A_320 = tpu.vector_load %arg8[%get3A_317, %get3A_318, %get3A_319] {strides = array<i32>} : memref<2x768x64xf32, #tpu.memory_space<vmem>>, vector<1x1x16xf32>,
            %get3A_321 = vector.shape_cast %get3A_320 : vector<1x1x16xf32> to vector<16xf32>
            %add3A_322 = arith.addf %while3A_297, %get3A_321 : vector<16xf32>
            scf.yield %add3A_304, %add3A_310, %add3A_316, %add3A_322 : vector<16xf32>, vector<16xf32>, vector<16xf32>, vector<16xf32>
          }
          %le3A = arith.cmpi sle, %squeeze3A_214, %add3A_171 : i32
          %jit3A_266 = arith.constant 256 : i32
          %select_n3A_267 = arith.select %le3A, %while3A_203, %jit3A_266 : i32
          %swap3A = arith.index_cast %select_n3A_267 : i32 to index
          %swap3A_268 = arith.constant 0 : index
          %swap3A_269 = tpu.vector_load %arg9[%swap3A, %swap3A_268] {strides = array<i32>} : memref<257x64xf32, #tpu.memory_space<vmem>>, vector<1x16xf32>,
          %swap3A_270 = vector.shape_cast %swap3A_269 : vector<1x16xf32> to vector<16xf32>
          %swap3A_271 = vector.shape_cast %while3A_265#0 : vector<16xf32> to vector<1x16xf32>
          tpu.vector_store %arg9[%swap3A, %swap3A_268], %swap3A_271 {strides = array<i32>} : memref<257x64xf32, #tpu.memory_space<vmem>>, vector<1x16xf32>,
          %swap3A_272 = arith.index_cast %select_n3A_267 : i32 to index
          %swap3A_273 = arith.constant 16 : index
          %swap3A_274 = tpu.vector_load %arg9[%swap3A_272, %swap3A_273] {strides = array<i32>} : memref<257x64xf32, #tpu.memory_space<vmem>>, vector<1x16xf32>,
          %swap3A_275 = vector.shape_cast %swap3A_274 : vector<1x16xf32> to vector<16xf32>
          %swap3A_276 = vector.shape_cast %while3A_265#1 : vector<16xf32> to vector<1x16xf32>
          tpu.vector_store %arg9[%swap3A_272, %swap3A_273], %swap3A_276 {strides = array<i32>} : memref<257x64xf32, #tpu.memory_space<vmem>>, vector<1x16xf32>,
          %swap3A_277 = arith.index_cast %select_n3A_267 : i32 to index
          %swap3A_278 = arith.constant 32 : index
          %swap3A_279 = tpu.vector_load %arg9[%swap3A_277, %swap3A_278] {strides = array<i32>} : memref<257x64xf32, #tpu.memory_space<vmem>>, vector<1x16xf32>,
          %swap3A_280 = vector.shape_cast %swap3A_279 : vector<1x16xf32> to vector<16xf32>
          %swap3A_281 = vector.shape_cast %while3A_265#2 : vector<16xf32> to vector<1x16xf32>
          tpu.vector_store %arg9[%swap3A_277, %swap3A_278], %swap3A_281 {strides = array<i32>} : memref<257x64xf32, #tpu.memory_space<vmem>>, vector<1x16xf32>,
          %swap3A_282 = arith.index_cast %select_n3A_267 : i32 to index
          %swap3A_283 = arith.constant 48 : index
          %swap3A_284 = tpu.vector_load %arg9[%swap3A_282, %swap3A_283] {strides = array<i32>} : memref<257x64xf32, #tpu.memory_space<vmem>>, vector<1x16xf32>,
          %swap3A_285 = vector.shape_cast %swap3A_284 : vector<1x16xf32> to vector<16xf32>
          %swap3A_286 = vector.shape_cast %while3A_265#3 : vector<16xf32> to vector<1x16xf32>
          tpu.vector_store %arg9[%swap3A_282, %swap3A_283], %swap3A_286 {strides = array<i32>} : memref<257x64xf32, #tpu.memory_space<vmem>>, vector<1x16xf32>,
          %broadcast_in_dim3A_287 = arith.constant 0.000000e+00 : f32
          %broadcast_in_dim3A_288 = vector.broadcast %broadcast_in_dim3A_287 : f32 to vector<16xf32>
          %select_n3A_289 = arith.select %le3A, %broadcast_in_dim3A_288, %while3A_265#0 : vector<16xf32>
          %select_n3A_290 = arith.select %le3A, %broadcast_in_dim3A_288, %while3A_265#1 : vector<16xf32>
          %select_n3A_291 = arith.select %le3A, %broadcast_in_dim3A_288, %while3A_265#2 : vector<16xf32>
          %select_n3A_292 = arith.select %le3A, %broadcast_in_dim3A_288, %while3A_265#3 : vector<16xf32>
          scf.yield %select_n3A_289, %select_n3A_290, %select_n3A_291, %select_n3A_292 : vector<16xf32>, vector<16xf32>, vector<16xf32>, vector<16xf32>
        }
        %sub3A_189 = arith.constant 1 : i32
        %sub3A_190 = arith.subi %scan3A_177#0, %sub3A_189 : i32
        %max3A = arith.maxsi %sub3A_190, %while3A_130 : i32
        %add3A_191 = arith.constant 1 : i32
        %add3A_192 = arith.addi %max3A, %add3A_191 : i32
        %get3A_193 = arith.index_cast %add3A_192 : i32 to index
        %get3A_194 = tpu.vector_load %arg6[%get3A_193] {strides = array<i32>} : memref<288xi32, #tpu.memory_space<vmem>>, vector<16xi32>,
        %get3A_195 = vector.shape_cast %get3A_194 : vector<16xi32> to vector<16xi32>
        %slice3A_196 = vector.extract_strided_slice %get3A_195 {offsets = [0], sizes = [1], strides = [1]} : vector<16xi32> to vector<1xi32>
        %squeeze3A_197 = vector.extract %slice3A_196[0] : i32 from vector<1xi32>
        %gt3A_198 = arith.cmpi sgt, %squeeze3A_197, %add3A_171 : i32
        %gt3A_199 = arith.cmpi sgt, %scan3A_177#0, %while3A_130 : i32
        %convert_element_type3A_200 = arith.extui %gt3A_198 : i1 to i32
        %sub3A_201 = arith.subi %scan3A_177#0, %convert_element_type3A_200 : i32
        %select_n3A_202 = arith.select %gt3A_199, %sub3A_201, %while3A_130 : i32
        scf.yield %select_n3A_202, %while3A_188#0, %while3A_188#1, %while3A_188#2, %while3A_188#3 : i32, vector<16xf32>, vector<16xf32>, vector<16xf32>, vector<16xf32>
      }
      "tpu.region"() ({
        %run_scoped3A = tpu.sem_alloc : memref<!tpu.dma_semaphore, #tpu.memory_space<semaphore_mem>>
        %dma_start3A = arith.constant 0 : i32
        %dma_start3A_129 = arith.constant 0 : i32
        %dma_start3A_130 = tpu.memref_slice %arg9[%dma_start3A, %dma_start3A_129] : memref<257x64xf32, #tpu.memory_space<vmem>> -> memref<256x64xf32, #tpu.memory_space<vmem>>
        %dma_start3A_131 = arith.constant 0 : i32
        %dma_start3A_132 = tpu.memref_slice %arg5[%mul3A_43, %select_n3A, %dma_start3A_131] : memref<4096x26x64xf32, #tpu.memory_space<hbm>> -> memref<256x1x64xf32, #tpu.memory_space<hbm>>
        %dma_start3A_133 = tpu.memref_squeeze %dma_start3A_132 : memref<256x1x64xf32, #tpu.memory_space<hbm>> -> memref<256x64xf32, #tpu.memory_space<hbm>>
        %dma_start3A_134 = arith.constant 0 : i32
        %dma_start3A_135 = tpu.memref_slice %arg5[%mul3A_43, %select_n3A, %dma_start3A_134] : memref<4096x26x64xf32, #tpu.memory_space<hbm>> -> memref<256x1x64xf32, #tpu.memory_space<hbm>>
        %dma_start3A_136 = tpu.memref_squeeze %dma_start3A_135 : memref<256x1x64xf32, #tpu.memory_space<hbm>> -> memref<256x64xf32, #tpu.memory_space<hbm>>
        %dma_start3A_137 = arith.constant 0 : i32
        %dma_start3A_138 = arith.constant 0 : i32
        %dma_start3A_139 = tpu.memref_slice %arg9[%dma_start3A_137, %dma_start3A_138] : memref<257x64xf32, #tpu.memory_space<vmem>> -> memref<256x64xf32, #tpu.memory_space<vmem>>
        tpu.enqueue_dma source(%dma_start3A_139 : memref<256x64xf32, #tpu.memory_space<vmem>>) target(%dma_start3A_136 : memref<256x64xf32, #tpu.memory_space<hbm>>) target_semaphore(%run_scoped3A : memref<!tpu.dma_semaphore, #tpu.memory_space<semaphore_mem>>)
        %dma_wait3A = arith.constant 0 : i32
        %dma_wait3A_140 = arith.constant 0 : i32
        %dma_wait3A_141 = tpu.memref_slice %arg9[%dma_wait3A, %dma_wait3A_140] : memref<257x64xf32, #tpu.memory_space<vmem>> -> memref<256x64xf32, #tpu.memory_space<vmem>>
        %dma_wait3A_142 = arith.constant 0 : i32
        %dma_wait3A_143 = tpu.memref_slice %arg5[%mul3A_43, %select_n3A, %dma_wait3A_142] : memref<4096x26x64xf32, #tpu.memory_space<hbm>> -> memref<256x1x64xf32, #tpu.memory_space<hbm>>
        %dma_wait3A_144 = tpu.memref_squeeze %dma_wait3A_143 : memref<256x1x64xf32, #tpu.memory_space<hbm>> -> memref<256x64xf32, #tpu.memory_space<hbm>>
        %dma_wait3A_145 = arith.constant 0 : i32
        %dma_wait3A_146 = tpu.memref_slice %arg5[%mul3A_43, %select_n3A, %dma_wait3A_145] : memref<4096x26x64xf32, #tpu.memory_space<hbm>> -> memref<256x1x64xf32, #tpu.memory_space<hbm>>
        %dma_wait3A_147 = tpu.memref_squeeze %dma_wait3A_146 : memref<256x1x64xf32, #tpu.memory_space<hbm>> -> memref<256x64xf32, #tpu.memory_space<hbm>>
        %dma_wait3A_148 = arith.constant 0 : i32
        %dma_wait3A_149 = arith.constant 0 : i32
        %dma_wait3A_150 = tpu.memref_slice %arg9[%dma_wait3A_148, %dma_wait3A_149] : memref<257x64xf32, #tpu.memory_space<vmem>> -> memref<256x64xf32, #tpu.memory_space<vmem>>
        tpu.wait_dma2 semaphore(%run_scoped3A : memref<!tpu.dma_semaphore, #tpu.memory_space<semaphore_mem>>) src(%dma_wait3A_150 : memref<256x64xf32, #tpu.memory_space<vmem>>) dst(%dma_wait3A_147 : memref<256x64xf32, #tpu.memory_space<hbm>>)
        tpu.yield
      }) : () -> ()
      %scan3A_128 = arith.constant 0 : i32
      scf.yield %scan3A_128 : i32
    }
    %scan3A_6 = arith.constant 13 : i32
    return
  }
}

</mosaic_0001>

<sc_bundles>
// kernel: _ebc_sc.3.cloned.1.call-start
scs
__scs_entry_jumppad:
0x0: {  	(pc) =	sbr.rel $0x88, $3  }
0x1: {  	(tag) =	ssettag $0x0;
	lr =	simm.s32 $0x1  }
0x2: {  	[smem:$0x3F9E] =	sst lr;
	_ =	strace $0xD0000000  }
0x3: {  	_ = 	snop  }
0x4: {  	_ = 	snop  }
0x5: {  	_ = 	snop  }
0x6: {  	_ = 	snop  }
0x7: {  	_ = 	snop  }
__scs_overlays_trampoline_lowered:
0x8: {  	[smem:$0x3FAD] =	sst s0  }
0x9: {  	[smem:$0x3FAE] =	sst s1  }
0xa: {  	[smem:$0x3FAF] =	sst s2  }
0xb: {  	[smem:$0x3FB0] =	sst s3  }
0xc: {  	[smem:$0x3FB1] =	sst s4  }
0xd: {  	[smem:$0x3FB2] =	sst s5  }
0xe: {  	[smem:$0x3FB3] =	sst s6  }
0xf: {  	[smem:$0x3FB4] =	sst s7  }
0x10: {  	[smem:$0x3FB5] =	sst s8  }
0x11: {  	[smem:$0x3FB6] =	sst s9;
	s0 =	simm.s32 @!p0 $0x0  }
0x12: {  	s1 =	sld [smem:$0x3F9C];
	s0 =	simm.s32 @p0 $0x1  }
0x13: {  	[smem:$0x3FB7] =	sst s0;
	s0 =	simm.s32 @!p1 $0x0  }
0x14: {  	s2 =	sld [smem:$0x3F9B];
	s0 =	simm.s32 @p1 $0x1  }
0x15: {  	[smem:$0x3FB8] =	sst s0;
	s0 =	simm.s32 @!p2 $0x0  }
0x16: {  	s3 =	sld [smem:$0x3FDB];
	s0 =	simm.s32 @p2 $0x1  }
0x17: {  	s4 =	simm.s32 $0x1BF5;
	[smem:$0x3FBA] =	sst s0  }
0x18: {  	s0 =	sld [smem:$0x3F9D];
	_ =	swait.ge [sflag:s4], $0x0  }
0x19: {  	s7 =	sld [smem:$0x3F9E]  }
0x1a: {  	s8 =	sadd.s32 $0xFFFFE003, lr  }
0x1b: {  	s9 =	sadd.s32 $0xFFFFFEF7, lr;
	s5 =	simm.s32 $0xFFFFFFFF;
	p2 =	slt.u32 s8, $0xFFFFF086  }
0x1c: {  	p1 =	slt.u32 s9, $0xF7A;
	s5 =	simm.s32 @!p2 $0x0  }
0x1d: {  	s5 =	simm.s32 @p1 $0x1;
	p0 =	seq.s32 s7, s2  }
0x1e: {  	s7 =	smul.u32 @!p0 $0xF7A, s2;
	p2 =	seq.s32 @!p0 s5, $0x0  }
0x1f: {  	s9 =	smul.u32 $0xF7A, s1;
	s8 =	simm.s32 @!p0 $0x1BF5;
	p2 =	por !p2, p0  }
0x20: {  	[sflag:s8] =	ssyncset.s32 @!p0 $0xFFFFF086;
	s6 =	sadd.s32 @!p0 s3, s7;
	s7 =	simm.s32 @!p0 $0x108  }
0x21: {  	s3 =	sadd.s32 s3, s9;
	s6 =	sadd.s32 @!p0 $0x88, s6;
	s7 =	simm.s32 @p2 $0x1082  }
0x22: {  	[simem:s7], [sflag:s8] =	dma.local @!p0 [hbm:s6], $0xF7A  }
0x23: {  	s9 =	sor.u32 $0xD0000000, s2;
	s6 =	simm.s32 $0x108;
	_ =	swait.ge @!p0 [sflag:s8], $0x0  }
0x24: {  	s3 =	sadd.s32 $0x88, s3;
	s6 =	simm.s32 @!p1 $0x1082;
	[sflag:s4] =	ssyncset.s32 $0xFFFFF086  }
0x25: {  	[simem:s6], [sflag:s4] =	dma.local [hbm:s3], $0xF7A  }
0x26: {  	[smem:$0x3F9E] =	sst s1;
	(tag) =	ssettag s2;
	_ =	strace s9  }
0x27: {  	s1 =	sld [smem:$0x3FAE]  }
0x28: {  	s2 =	sld [smem:$0x3FAF]  }
0x29: {  	s4 =	sld [smem:$0x3FB1]  }
0x2a: {  	p0 =	seq.s32 s5, $0x0;
	s5 =	sld [smem:$0x3FB2]  }
0x2b: {  	s6 =	sld [smem:$0x3FB3]  }
0x2c: {  	s7 =	sld [smem:$0x3FB4]  }
0x2d: {  	s3 =	simm.s32 $0x108;
	s8 =	sld [smem:$0x3FB5]  }
0x2e: {  	s3 =	simm.s32 @!p0 $0x1082;
	s9 =	sld [smem:$0x3FB6]  }
0x2f: {  	lr =	sadd.s32 s0, s3;
	s0 =	sld [smem:$0x3FAD]  }
0x30: {  	s3 =	sld [smem:$0x3FB0]  }
0x31: {  	[smem:$0x3FB9] =	sst s10  }
0x32: {  	s10 =	sld [smem:$0x3FB7];
	_ =	sdelay $0x3  }
0x33: {  	p0 =	seq.s32 s10, $0x1;
	s10 =	sld [smem:$0x3FB9];
	_ =	sdelay $0x3  }
0x34: {  	[smem:$0x3FB9] =	sst s10  }
0x35: {  	s10 =	sld [smem:$0x3FB8];
	_ =	sdelay $0x3  }
0x36: {  	p1 =	seq.s32 s10, $0x1;
	s10 =	sld [smem:$0x3FB9];
	_ =	sdelay $0x3  }
0x37: {  	[smem:$0x3FB9] =	sst s10  }
0x38: {  	s10 =	sld [smem:$0x3FBA]  }
0x39: {  	_ = 	snop;
	(pc) =	sbr.ind lr, $3  }
0x3a: {  	_ = 	snop  }
0x3b: {  	_ = 	snop  }
0x3c: {  	p2 =	seq.s32 s10, $0x1;
	s10 =	sld [smem:$0x3FB9]  }
0x3d: {  	_ =	shalt  }
0x3e: {  	_ =	shalt  }
0x3f: {  	_ =	shalt  }
0x40: {  	_ =	shalt  }
0x41: {  	_ =	shalt  }
0x42: {  	_ =	shalt  }
0x43: {  	_ =	shalt  }
0x44: {  	_ =	shalt  }
0x45: {  	_ =	shalt  }
0x46: {  	_ =	shalt  }
0x47: {  	_ =	shalt  }
0x48: {  	_ =	shalt  }
0x49: {  	_ =	shalt  }
0x4a: {  	_ =	shalt  }
0x4b: {  	_ =	shalt  }
0x4c: {  	_ =	shalt  }
0x4d: {  	_ =	shalt  }
0x4e: {  	_ =	shalt  }
0x4f: {  	_ =	shalt  }
0x50: {  	_ =	shalt  }
0x51: {  	_ =	shalt  }
0x52: {  	_ =	shalt  }
0x53: {  	_ =	shalt  }
0x54: {  	_ =	shalt  }
0x55: {  	_ =	shalt  }
0x56: {  	_ =	shalt  }
0x57: {  	_ =	shalt  }
0x58: {  	_ =	shalt  }
0x59: {  	_ =	shalt  }
0x5a: {  	_ =	shalt  }
0x5b: {  	_ =	shalt  }
0x5c: {  	_ =	shalt  }
0x5d: {  	_ =	shalt  }
0x5e: {  	_ =	shalt  }
0x5f: {  	_ =	shalt  }
0x60: {  	_ =	shalt  }
0x61: {  	_ =	shalt  }
0x62: {  	_ =	shalt  }
0x63: {  	_ =	shalt  }
0x64: {  	_ =	shalt  }
0x65: {  	_ =	shalt  }
0x66: {  	_ =	shalt  }
0x67: {  	_ =	shalt  }
0x68: {  	_ =	shalt  }
0x69: {  	_ =	shalt  }
0x6a: {  	_ =	shalt  }
0x6b: {  	_ =	shalt  }
0x6c: {  	_ =	shalt  }
0x6d: {  	_ =	shalt  }
0x6e: {  	_ =	shalt  }
0x6f: {  	_ =	shalt  }
0x70: {  	_ =	shalt  }
0x71: {  	_ =	shalt  }
0x72: {  	_ =	shalt  }
0x73: {  	_ =	shalt  }
0x74: {  	_ =	shalt  }
0x75: {  	_ =	shalt  }
0x76: {  	_ =	shalt  }
0x77: {  	_ =	shalt  }
0x78: {  	_ =	shalt  }
0x79: {  	_ =	shalt  }
0x7a: {  	_ =	shalt  }
0x7b: {  	_ =	shalt  }
0x7c: {  	_ =	shalt  }
0x7d: {  	_ =	shalt  }
0x7e: {  	_ =	shalt  }
0x7f: {  	_ =	shalt  }
0x80: {  	_ =	shalt  }
0x81: {  	_ =	shalt  }
0x82: {  	_ =	shalt  }
0x83: {  	_ =	shalt  }
0x84: {  	_ =	shalt  }
0x85: {  	_ =	shalt  }
0x86: {  	_ =	shalt  }
0x87: {  	_ =	shalt  }
.Lfunc_end0:
.L_simem_size_0:
called_computation_lowered:
.L_overlay_start_0:
0x88: {  	s2 =	sld [smem:$0x3FD9]  }
0x89: {  	s3 =	sld [smem:$0x3FFE];
	_ =	sdelay $0x1  }
0x8a: {  	s1 =	srdreg.scid  }
0x8b: {  	s0 =	sand.u32 $0x1, s1  }
0x8c: {  	s17 =	sshll.u32 s0, $0xA;
	s2 =	sadd.s32 s3, s2  }
0x8d: {  	s2 =	sadd.s32 s2, s17  }
0x8e: {  	[smem:$0x3FC5] =	sst s2  }
0x8f: {  	_ = 	snop  }
0x90: {  	s2 =	sld [smem:$0x3FC9]  }
0x91: {  	s18 =	sld [smem:$0x3FC8]  }
0x92: {  	s4 =	sld [smem:$0x3FD0];
	(tm) =	ssettm $0x1  }
0x93: {  	s5 =	sld [smem:$0x3FFB];
	_ =	sdelay $0x3  }
0x94: {  	_ =	strace s5  }
0x95: {  	s5 =	sld [smem:$0x3FFC];
	_ =	sdelay $0x3  }
0x96: {  	_ =	strace s5  }
0x97: {  	s5 =	sld [smem:$0x3FFD];
	_ =	sdelay $0x3  }
0x98: {  	_ =	strace s5  }
0x99: {  	_ =	strace $0x8FFFFFFF  }
0x9a: {  	s19 =	sld [smem:$0x3FDB];
	_ =	sdelay $0x1  }
0x9b: {  	s6 =	simm.s32 $_scs_section_size  }
0x9c: {  	s7 =	simm.s32 $_size__tile_overlayer_lowered;
	s8 =	simm.s32 $_tile_overlayer_lowered  }
0x9d: {  	s22 =	simm.s32 $0x1BFF;
	s21 =	sshll.u32 s8, $0x1;
	s5 =	sadd.s32 s6, s19  }
0x9e: {  	s9 =	simm.s32 $0x0;
	s20 =	sshll.u32 s7, $0x1;
	s7 =	sadd.s32 s21, s5  }
0x9f: {  	[timem:s9], [sflag:s22] =	dma.local [hbm:s7], s20  }
0xa0: {  	_ =	swait.ge [sflag:s22], s20  }
0xa1: {  	s6 =	ssub.s32 $0x0, s20;
	[sflag:s22] =	ssyncset.done $0x0  }
0xa2: {  	[sflag:s22] =	ssyncadd.s32 s6;
	_ =	sdelay $0x1  }
0xa3: {  	s23 =	simm.s32 $0x1B8B  }
0xa4: {  	_ =	swait.ge [sflag:s23], $0x1  }
0xa5: {  	[sflag:s23] =	ssyncset.done $0x0  }
0xa6: {  	s25 =	simm.s32 $0x1B8E;
	s24 =	sld [smem:$0x3FFE];
	[sflag:s23] =	ssyncadd.s32 $0xFFFFFFFF  }
0xa7: {  	s26 =	simm.s32 $execute0_lowered;
	[smem:$0x3FD2] =	sst s25  }
0xa8: {  	s7 =	sshll.u32 s26, $0x1;
	_ =	strace $0x80000046;
	[dreg:$0x1] =	wrdreg $0xFFFFFFFF  }
0xa9: {  	s28 =	simm.s32 $_size_execute0_lowered;
	s5 =	sadd.s32 s5, s7;
	[dreg:$0x0] =	wrdreg $0x0  }
0xaa: {  	s7 =	sshll.u32 s28, $0x1;
	[dreg:$0x2] =	wrdreg s5  }
0xab: {  	[dreg:$0x3] =	wrdreg s7  }
0xac: {  	[dreg:$0x4] =	wrdreg $0xC0  }
0xad: {  	_ =	task [dreg:s9], $0x5FFFF  }
0xae: {  	[dreg:$0x1] =	wrdreg $0xFFFFFFFF  }
0xaf: {  	[dreg:$0x0] =	wrdreg $0x60  }
0xb0: {  	[dreg:$0x2] =	wrdreg s2  }
0xb1: {  	[dreg:$0x3] =	wrdreg s18  }
0xb2: {  	[dreg:$0x4] =	wrdreg s24  }
0xb3: {  	[dreg:$0x5] =	wrdreg s4  }
0xb4: {  	[dreg:$0x6] =	wrdreg $0x9  }
0xb5: {  	_ =	task.clear_ibuf [dreg:s9], $0x7FFFF;
	_ =	strace $0x90000046  }
0xb6: {  	s29 =	simm.s32 $0x9;
	_ =	strace $0x80000048  }
0xb7: {  	_ =	swait.ge [sflag:s29], $0x1  }
0xb8: {  	[sflag:s29] =	ssyncadd.s32 $0xFFFFFFFF  }
0xb9: {  	_ =	strace $0x90000048  }
0xba: {  	_ =	sfence  }
0xbb: {  	s30 =	sld [smem:$0x0];
	_ =	sdelay $0x2  }
0xbc: {  	s31 =	sshll.u32 s1, $0xD;
	s1 =	sshrl.u32 s1, $0x2  }
0xbd: {  	s3 =	sand.u32 $0x4000, s31;
	s1 =	sadd.s32 s1, s30  }
0xbe: {  	s0 =	sor.u32 s3, s0;
	s1 =	sshll.u32 s1, $0x11  }
0xbf: {  	s0 =	sor.u32 s1, s0  }
0xc0: {  	s0 =	sadd.s32 $0x8F2B, s0  }
0xc1: {  	[sflag:s0] =	ssyncadd.remote.s32 $0x1  }
0xc2: {  	_ =	sfence.sel $0xFFFF  }
0xc3: {  	[dreg:$0x0] =	wrdreg $0xFFFFFFFF;
	(pc) =	sbr.abs _section_cstart, $3  }
0xc4: {  	[dreg:$0x1] =	wrdreg $0xFFFFFFFF  }
0xc5: {  	_ =	task.clear_ibuf [dreg:s9], $0x2FFFF;
	_ =	strace $0x9FFFFFFF  }
0xc6: {  	(tm) =	ssettm $0x7FFFFFFF  }
0xc7: {  	_ =	shalt  }
tec
execute0_lowered:
.L_overlay_start_1:
0x0: {  	(tag) =	ssettag $0x1  }
0x1: {  	s1 =	rddreg [dreg:$0x0]  }
0x2: {  	s0 =	rddreg [dreg:$0x2];
	s2 =	srdreg.scid  }
0x3: {  	s8 =	simm.s32 $0x0;
	s4 =	stileid.u32;
	s2 =	sand.u32 $0x1, s2  }
.Ltmp0:
0x4: {  	s9 =	simm.s32 $0x3;
	s3 =	ssub.s32 $0x2, s2;
	(pc) =	sbr.rel .LBB2_1-.Ltmp0, $4  }
0x5: {  	s10 =	simm.s32 $0x120;
	s11 =	simm.s32 $0x80;
	s5 =	sshrl.u32 s3, $0x1  }
0x6: {  	[smem:$0x7FF] =	sst s8;
	s4 =	sshll.u32 s4, $0x1;
	s31 =	ssub.s32 s3, s5  }
0x7: {  	s6 =	sadd.s32 $0x27AC800, s0;
	s2 =	sor.u32 s2, s4;
	s0 =	smax.u32 s31, $0x1  }
0x8: {  	v0 =	vimm.f32 $0.0e+00;
	_ =	strace $0x80000047;
	s7 =	smul.u32 $0xD, s2;
	[dreg:$0x6] =	wrdreg s0  }
.LBB2_21:
0x9: {  	s8 =	rddreg [dreg:$0x5]  }
0xa: {  	s0 =	rddreg [dreg:$0x6];
	s8 =	sadd.s32 $0x1, s8  }
0xb: {  	p0 =	sne.s32 s8, s0  }
.Ltmp1:
0xc: {  	_ = 	snop;
	(pc) =	sbr.rel @!p0 .LBB2_22-.Ltmp1, $1  }
0xd: {  	_ =	sdelay $0x3  }
.LBB2_1:
.Ltmp2:
0xe: {  	(pc) =	sbr.rel .LBB2_2-.Ltmp2, $2  }
0xf: {  	_ =	sdelay $0x2  }
0x10: {  	[dreg:$0x5] =	wrdreg s8;
	s26 =	simm.s32 $0x0  }
.LBB2_20:
0x11: {  	s0 =	smul.u32 $0x680, s29  }
0x12: {  	s2 =	sshll.u32 s28, $0x6;
	s30 =	rddreg [dreg:$0x3]  }
0x13: {  	s31 =	simm.s32 $0x40;
	s26 =	sadd.s32 $0x1, s26;
	s0 =	sadd.s32 s2, s0  }
0x14: {  	s3 =	simm.s32 $0x680;
	p0 =	sne.s32 s26, $0xD;
	s0 =	sshrl.u32 s0, $0x3  }
.Ltmp3:
0x15: {  	s4 =	simm.s32 $0x18720;
	s0 =	sadd.s32 s30, s0;
	(pc) =	sbr.rel @!p0 .LBB2_21-.Ltmp3, $4  }
0x16: {  	[hbm4b:s0+s31] =	stream.strided.scatter [tilespmem:s4], [sflag:$0x3], $0x4000, s3, s31, $0x38;
	[tilespmem:$0x1C760] =	vst v63  }
0x17: {  	_ =	swait.ge [sflag:s9], $0x4000  }
0x18: {  	[sflag:s9] =	ssyncset.done $0x0  }
0x19: {  	[sflag:s9] =	ssyncadd.s32 $0xFFFFC000  }
.LBB2_2:
0x1a: {  	s0 =	sadd.s32 s7, s26  }
0x1b: {  	s28 =	sshrl.u32 s0, $0x4;
	s0 =	sshll.u32 s0, $0x8  }
0x1c: {  	s29 =	sand.u32 $0xF00, s0;
	s30 =	sshll.u32 s28, $0xC  }
0x1d: {  	s0 =	sor.u32 s29, s30  }
0x1e: {  	s2 =	rddreg [dreg:$0x1];
	s0 =	sshrl.u32 s0, $0x3  }
0x1f: {  	s31 =	simm.s32 $0x0;
	s0 =	sadd.s32 s2, s0  }
0x20: {  	[tilespmem:s31], [sflag:$0x3] =	stream.linear.gather [hbm4b:s0+s31], $0x120, $0x38;
	[tilespmem:$0x1C760] =	vst v63  }
0x21: {  	_ =	swait.ge [sflag:s9], $0x120  }
0x22: {  	[sflag:s9] =	ssyncset.done $0x0  }
0x23: {  	s2 =	simm.s32 $0x100;
	s0 =	simm.s32 $0x0;
	[sflag:s9] =	ssyncadd.s32 $0xFFFFFEE0  }
.LBB2_3:
0x24: {  	p0 =	sne.s32 s2, $0xFF00;
	[tilespmem:s0+$0x18750] =	vst v0;
	s3 =	smov.u32 s2;
	s2 =	sadd.s32 $0x100, s2  }
.Ltmp4:
0x25: {  	[tilespmem:s0+$0x18740] =	vst v0;
	(pc) =	sbr.rel @p0 .LBB2_3-.Ltmp4, $3  }
0x26: {  	[tilespmem:s0+$0x18720] =	vst v0  }
0x27: {  	[tilespmem:s0+$0x18730] =	vst v0;
	_ =	sdelay $0x1  }
0x28: {  	s0 =	sshra.s32 s3, $0x2  }
0x29: {  	[tilespmem:s0+$0x18750] =	vst v0  }
0x2a: {  	[tilespmem:s0+$0x18740] =	vst v0  }
0x2b: {  	[tilespmem:s0+$0x18720] =	vst v0  }
0x2c: {  	[tilespmem:s0+$0x18730] =	vst v0  }
0x2d: {  	v1 =	vld [tilespmem:$0x0];
	_ =	sdelay $0x4  }
0x2e: {  	(v2sf) =	vpush v1, $0x0;
	_ =	sdelay $0x1  }
0x2f: {  	v1 =	vld [tilespmem:$0x100];
	_ =	sdelay $0x4  }
0x30: {  	(v2sf) =	vpush v1, $0x0;
	_ =	sdelay $0x7  }
0x31: {  	s23 =	spop (v2sf)  }
0x32: {  	s2 =	sand.u32 $0x7, s23  }
0x33: {  	s3 =	sshra.s32 s23, $0x1F;
	p0 =	slt.s32 s23, $0x1;
	p1 =	sne.s32 s2, $0x0  }
0x34: {  	s24 =	sshrl.u32 s3, $0x1D;
	p0 =	por !p0, !p1  }
0x35: {  	s2 =	simm.s32 $0x1;
	s0 =	sadd.s32 s24, s23;
	p0 =	por !p0, !p0  }
0x36: {  	s0 =	sshra.s32 s0, $0x3;
	s2 =	simm.s32 @!p0 $0x0  }
0x37: {  	s0 =	ssub.s32 s0, s2  }
0x38: {  	s25 =	spop (v2sf);
	s4 =	sshll.u32 s0, $0x3  }
0x39: {  	s2 =	ssub.s32 s25, s4  }
0x3a: {  	s30 =	sadd.s32 $0x2FF, s2  }
0x3b: {  	s5 =	smulhi.u32 $0x2AAAAAAB, s30;
	s8 =	sshra.s32 s30, $0x1F  }
0x3c: {  	s8 =	smul.u32 $0x2AAAAAAB, s8;
	_ =	sdelay $0x1  }
0x3d: {  	s5 =	sadd.s32 s8, s5  }
0x3e: {  	s8 =	sshrl.u32 s5, $0x1F;
	s5 =	sshra.s32 s5, $0x7  }
0x3f: {  	s5 =	sadd.s32 s8, s5  }
0x40: {  	s8 =	smul.u32 $0xFFFFFD00, s5  }
0x41: {  	s2 =	ssub.s32 $0xFFFFFD01, s2  }
0x42: {  	p5 =	slt.s32 s30, $0x1;
	p6 =	sne.s32 s8, s2  }
0x43: {  	p0 =	por !p5, !p6  }
0x44: {  	s2 =	simm.s32 $0x1;
	p0 =	por !p0, !p0  }
0x45: {  	s2 =	simm.s32 @!p0 $0x0  }
0x46: {  	s31 =	ssub.s32 s5, s2  }
0x47: {  	p0 =	slt.s32 s31, $0x1  }
.Ltmp5:
0x48: {  	_ = 	snop;
	(pc) =	sbr.rel @p0 .LBB2_20-.Ltmp5, $1  }
0x49: {  	_ =	sdelay $0x3  }
0x4a: {  	s0 =	sand.u32 $0x1FFFFFFF, s0  }
0x4b: {  	s19 =	simm.s32 $0x0;
	s0 =	sadd.s32 s1, s0  }
0x4c: {  	[tilespmem:s10], [sflag:$0x3] =	stream.linear.gather [hbm4b:s0+s19], $0x300, $0x38;
	[tilespmem:$0x1C760] =	vst v63  }
0x4d: {  	s15 =	smul.u32 $0xC3500, s28;
	_ =	swait.ge [sflag:s9], $0x300  }
0x4e: {  	[sflag:s9] =	ssyncset.done $0x0  }
0x4f: {  	s16 =	simm.s32 $0x720;
	s3 =	sadd.s32 s6, s15;
	[sflag:s9] =	ssyncadd.s32 $0xFFFFFD00  }
0x50: {  	[tilespmem:s16], [sflag:$0x1] =	stream.indirect.gather [hbm4b:s3+s11], $0x40, s10, s11, $0xb8;
	[tilespmem:$0x1C760] =	vst v63  }
0x51: {  	s17 =	simm.s32 $0x1A0;
	s2 =	simm.s32 $0x2720  }
0x52: {  	[tilespmem:s2], [sflag:$0x1] =	stream.indirect.gather [hbm4b:s3+s11], $0x40, s17, s11, $0xb8;
	[tilespmem:$0x1C760] =	vst v63  }
0x53: {  	s18 =	simm.s32 $0x220;
	s20 =	simm.s32 $0x4720  }
0x54: {  	[tilespmem:s20], [sflag:$0x1] =	stream.indirect.gather [hbm4b:s3+s11], $0x40, s18, s11, $0xb8;
	[tilespmem:$0x1C760] =	vst v63  }
0x55: {  	s21 =	simm.s32 $0x2A0;
	s22 =	simm.s32 $0x6720;
	s23 =	simm.s32 $0x320  }
0x56: {  	[tilespmem:s22], [sflag:$0x1] =	stream.indirect.gather [hbm4b:s3+s11], $0x40, s21, s11, $0xb8;
	[tilespmem:$0x1C760] =	vst v63  }
.Ltmp6:
0x57: {  	s24 =	simm.s32 $0x8720;
	s25 =	simm.s32 $0x3A0;
	(pc) =	sbr.rel .LBB2_6-.Ltmp6, $4  }
0x58: {  	s30 =	simm.s32 $0xA720;
	s8 =	ssub.s32 $0x0, s4;
	s5 =	sadd.s32 $0x300, s4  }
0x59: {  	[tilespmem:s24], [sflag:$0x1] =	stream.indirect.gather [hbm4b:s3+s11], $0x40, s23, s11, $0xb8;
	[tilespmem:$0x1C760] =	vst v63  }
0x5a: {  	v1 =	vimm.f32 $0.0e+00;
	p0 =	por $0x0, $0x0;
	s12 =	smov.u32 s4;
	s13 =	simm.s32 $0x0  }
0x5b: {  	v2 =	vimm.f32 $0.0e+00;
	v3 =	vimm.f32 $0.0e+00;
	v4 =	vimm.f32 $0.0e+00;
	[tilespmem:s30], [sflag:$0x1] =	stream.indirect.gather [hbm4b:s3+s11], $0x40, s25, s11, $0xb8;
	[tilespmem:$0x1C760] =	vst v63  }
.LBB2_19:
0x5c: {  	s2 =	sadd.s32 $0xFFFFFFFF, s0  }
0x5d: {  	s14 =	smov.u32 s19;
	p1 =	sgt.s32 s2, s19  }
0x5e: {  	s14 =	smov.u32 @p1 s2  }
0x5f: {  	v5 =	vld [tilespmem:s14+$0x1];
	_ =	sdelay $0x4  }
0x60: {  	(v2sf) =	vpush v5, $0x0;
	_ =	sdelay $0xe  }
0x61: {  	s30 =	spop (v2sf)  }
0x62: {  	s2 =	simm.s32 $0x1;
	p1 =	sgt.s32 s30, s21  }
0x63: {  	s2 =	simm.s32 @!p1 $0x0  }
0x64: {  	p1 =	slt.s32 s19, s0;
	s0 =	ssub.s32 s0, s2  }
0x65: {  	s19 =	smov.u32 @p1 s0;
	p1 =	sne.s32 s13, s31  }
.Ltmp7:
0x66: {  	_ = 	snop;
	(pc) =	sbr.rel @!p1 .LBB2_20-.Ltmp7, $3  }
0x67: {  	_ =	sdelay $0x1  }
0x68: {  	p0 =	por !p0, !p0  }
0x69: {  	s8 =	sadd.s32 $0xFFFFFD00, s8;
	s12 =	sadd.s32 $0x300, s12;
	s5 =	sadd.s32 $0x300, s5  }
.LBB2_6:
0x6a: {  	s0 =	smov.u32 s13;
	s13 =	sadd.s32 $0x1, s13  }
0x6b: {  	s2 =	sand.u32 $0x1, s0;
	p1 =	sge.s32 s13, s31  }
0x6c: {  	s14 =	sxor.u32 @!p1 $0x1, s2;
	s15 =	smul.u32 @!p1 $0x300, s13  }
0x6d: {  	s16 =	smul.u32 @!p1 $0xC00, s14  }
0x6e: {  	s15 =	sadd.s32 @!p1 s4, s15  }
0x6f: {  	s16 =	sshrl.u32 @!p1 s16, $0x2;
	s15 =	sshrl.u32 @!p1 s15, $0x3  }
0x70: {  	s18 =	simm.s32 @!p1 $0x0;
	s17 =	sadd.s32 @!p1 $0x120, s16;
	s15 =	sadd.s32 @!p1 s1, s15  }
0x71: {  	[tilespmem:s17], [sflag:$0x3] =	stream.linear.gather @!p1 [hbm4b:s15+s18], $0x300, $0x38;
	[tilespmem:$0x1C760] =	vst v63  }
0x72: {  	s15 =	simm.s32 @!p1 $0x3  }
0x73: {  	s18 =	smul.u32 @!p1 $0x30000, s14;
	_ =	swait.ge @!p1 [sflag:s15], $0x300  }
0x74: {  	[sflag:s15] =	ssyncset.done @!p1 $0x0  }
0x75: {  	[sflag:s15] =	ssyncadd.s32 @!p1 $0xFFFFFD00;
	s15 =	sshrl.u32 @!p1 s18, $0x2  }
0x76: {  	s20 =	simm.s32 @!p1 $0x80;
	s14 =	sadd.s32 @!p1 $0x1, s14;
	s18 =	sor.u32 @!p1 $0x720, s15  }
0x77: {  	[tilespmem:s18], [sflag:s14] =	stream.indirect.gather @!p1 [hbm4b:s3+s20], $0x40, s17, s20, $0xb8;
	[tilespmem:$0x1C760] =	vst v63  }
0x78: {  	s0 =	smul.u32 $0x300, s0;
	s17 =	sor.u32 @!p1 $0x2720, s15;
	s18 =	sadd.s32 @!p1 $0x1A0, s16  }
0x79: {  	[tilespmem:s17], [sflag:s14] =	stream.indirect.gather @!p1 [hbm4b:s3+s20], $0x40, s18, s20, $0xb8;
	[tilespmem:$0x1C760] =	vst v63  }
0x7a: {  	s2 =	sadd.s32 $0x1, s2;
	s17 =	sadd.s32 @!p1 $0x4720, s15;
	s18 =	sadd.s32 @!p1 $0x220, s16  }
0x7b: {  	[tilespmem:s17], [sflag:s14] =	stream.indirect.gather @!p1 [hbm4b:s3+s20], $0x40, s18, s20, $0xb8;
	[tilespmem:$0x1C760] =	vst v63  }
0x7c: {  	s22 =	sadd.s32 s4, s0;
	s17 =	sadd.s32 @!p1 $0x6720, s15;
	s18 =	sadd.s32 @!p1 $0x2A0, s16  }
0x7d: {  	[tilespmem:s17], [sflag:s14] =	stream.indirect.gather @!p1 [hbm4b:s3+s20], $0x40, s18, s20, $0xb8;
	[tilespmem:$0x1C760] =	vst v63  }
0x7e: {  	s0 =	smov.u32 s19;
	s17 =	sadd.s32 @!p1 $0x8720, s15;
	s18 =	sadd.s32 @!p1 $0x320, s16  }
0x7f: {  	[tilespmem:s17], [sflag:s14] =	stream.indirect.gather @!p1 [hbm4b:s3+s20], $0x40, s18, s20, $0xb8;
	[tilespmem:$0x1C760] =	vst v63  }
0x80: {  	s21 =	sadd.s32 $0x300, s22;
	s15 =	sadd.s32 @!p1 $0xA720, s15;
	s16 =	sadd.s32 @!p1 $0x3A0, s16  }
0x81: {  	[tilespmem:s15], [sflag:s14] =	stream.indirect.gather @!p1 [hbm4b:s3+s20], $0x40, s16, s20, $0xb8;
	[tilespmem:$0x1C760] =	vst v63  }
0x82: {  	s14 =	simm.s32 $0x1;
	s15 =	simm.s32 $0x100;
	_ =	swait.ge [sflag:s2], $0xC000  }
0x83: {  	s16 =	sadd.s32 $0x100, s19;
	s14 =	simm.s32 @!p0 $0x0;
	[sflag:s2] =	ssyncset.done $0x0  }
0x84: {  	s14 =	smul.u32 $0x30000, s14;
	[sflag:s2] =	ssyncadd.s32 $0xFFFF4000;
	s2 =	simm.s32 $0x8  }
.LBB2_7:
0x85: {  	s17 =	smov.u32 s15  }
0x86: {  	p1 =	seq.s32 s2, $0x1;
	s15 =	sand.u32 $0x1, s16  }
0x87: {  	p2 =	slt.s32 s16, $0x1;
	p3 =	seq.s32 s15, $0x1  }
0x88: {  	s15 =	sshrl.u32 s16, $0x1F;
	p2 =	por !p2, !p3  }
0x89: {  	s15 =	sadd.s32 s15, s16;
	s16 =	simm.s32 $0x1;
	p2 =	por !p2, !p2  }
0x8a: {  	s15 =	sshra.s32 s15, $0x1;
	s16 =	simm.s32 @!p2 $0x0  }
0x8b: {  	s15 =	ssub.s32 s15, s16  }
0x8c: {  	v5 =	vld [tilespmem:s15+$0x0];
	_ =	sdelay $0x4  }
0x8d: {  	(v2sf) =	vpush v5, $0x0;
	_ =	sdelay $0xd  }
.Ltmp8:
0x8e: {  	(pc) =	sbr.rel @!p1 .LBB2_7-.Ltmp8, $4  }
0x8f: {  	s16 =	spop (v2sf)  }
0x90: {  	p2 =	slt.s32 s16, s21;
	s16 =	sadd.s32 $0x1, s15  }
0x91: {  	s0 =	smov.u32 @p2 s16;
	s15 =	smov.u32 @p2 s17  }
0x92: {  	s2 =	sadd.s32 $0xFFFFFFFF, s2;
	s16 =	sadd.s32 s0, s15  }
0x93: {  	s2 =	sand.u32 $0x1, s16  }
0x94: {  	p1 =	slt.s32 s16, $0x1;
	p2 =	seq.s32 s2, $0x1  }
0x95: {  	s25 =	sshrl.u32 s16, $0x1F;
	p1 =	por !p1, !p2  }
0x96: {  	s15 =	simm.s32 $0x1;
	s2 =	sadd.s32 s25, s16;
	p1 =	por !p1, !p1  }
0x97: {  	s2 =	sshra.s32 s2, $0x1;
	s15 =	simm.s32 @!p1 $0x0  }
0x98: {  	s2 =	ssub.s32 s2, s15  }
0x99: {  	v5 =	vld [tilespmem:s2+$0x0];
	_ =	sdelay $0x4  }
0x9a: {  	(v2sf) =	vpush v5, $0x0;
	_ =	sdelay $0xe  }
0x9b: {  	s30 =	spop (v2sf)  }
0x9c: {  	s2 =	sadd.s32 $0x1, s2;
	p1 =	slt.s32 s30, s21  }
0x9d: {  	s0 =	smov.u32 @p1 s2  }
0x9e: {  	p1 =	sge.s32 s19, s0  }
.Ltmp9:
0x9f: {  	_ = 	snop;
	(pc) =	sbr.rel @p1 .LBB2_19-.Ltmp9, $1  }
0xa0: {  	_ =	sdelay $0x3  }
.Ltmp10:
0xa1: {  	(pc) =	sbr.rel .LBB2_10-.Ltmp10, $3  }
0xa2: {  	_ =	sdelay $0x1  }
0xa3: {  	s2 =	sshrl.u32 s14, $0x2  }
0xa4: {  	s15 =	smov.u32 s19;
	s17 =	sadd.s32 $0x760, s2;
	s18 =	sadd.s32 $0x740, s2  }
.LBB2_17:
0xa5: {  	v4 =	vadd.f32 v5, v4  }
0xa6: {  	v3 =	vadd.f32 v6, v3;
	v1 =	vadd.f32 v7, v1  }
.LBB2_18:
0xa7: {  	s2 =	sshll.u32 s15, $0x6;
	s15 =	sadd.s32 $0x1, s15  }
0xa8: {  	p1 =	sgt.s32 s20, s21;
	p2 =	sne.s32 s15, s0  }
.Ltmp11:
0xa9: {  	s2 =	simm.s32 @p1 $0x4000;
	(pc) =	sbr.rel @!p2 .LBB2_19-.Ltmp11, $4  }
0xaa: {  	[tilespmem:s2+$0x18720] =	vst v4  }
0xab: {  	[tilespmem:s2+$0x18730] =	vst v3  }
0xac: {  	[tilespmem:s2+$0x18740] =	vst v2;
	v4 =	vpsel !p1, $0x0, v4  }
0xad: {  	[tilespmem:s2+$0x18750] =	vst v1;
	v3 =	vpsel !p1, $0x0, v3;
	v2 =	vpsel !p1, $0x0, v2;
	v1 =	vpsel !p1, $0x0, v1  }
.LBB2_10:
0xae: {  	v5 =	vld [tilespmem:s15+$0x0];
	_ =	sdelay $0x4  }
0xaf: {  	(v2sf) =	vpush v5, $0x0  }
0xb0: {  	(v2sf) =	vpush v5, $0x1;
	_ =	sdelay $0xd  }
0xb1: {  	s24 =	spop (v2sf)  }
0xb2: {  	s16 =	smov.u32 s22;
	s20 =	spop (v2sf)  }
0xb3: {  	s14 =	smov.u32 s21;
	p1 =	sgt.s32 s24, s22;
	p2 =	slt.s32 s20, s21  }
0xb4: {  	s16 =	smov.u32 @p1 s24;
	s14 =	smov.u32 @p2 s20  }
0xb5: {  	s23 =	simm.s32 $0x1;
	s2 =	ssub.s32 s14, s16;
	p1 =	sne.s32 s14, s16  }
0xb6: {  	s25 =	sshra.s32 s2, $0x1F;
	s23 =	simm.s32 @!p1 $0x0  }
0xb7: {  	s23 =	sor.u32 s23, s25;
	s25 =	sand.u32 $0x1, s2  }
0xb8: {  	p1 =	sne.s32 s23, $0x1;
	p6 =	seq.s32 s25, $0x1  }
0xb9: {  	s25 =	sshrl.u32 s2, $0x1F;
	p2 =	por !p1, !p6  }
0xba: {  	s23 =	simm.s32 $0x1;
	s2 =	sadd.s32 s25, s2;
	p2 =	por !p2, !p2  }
0xbb: {  	s2 =	sshra.s32 s2, $0x1;
	s23 =	simm.s32 @!p2 $0x0  }
0xbc: {  	s23 =	ssub.s32 s2, s23  }
0xbd: {  	p2 =	slt.s32 s23, $0x1  }
.Ltmp12:
0xbe: {  	_ = 	snop;
	(pc) =	sbr.rel @p2 .LBB2_14-.Ltmp12, $3  }
0xbf: {  	_ =	sdelay $0x1  }
0xc0: {  	s30 =	smov.u32 s12;
	p3 =	sgt.s32 s24, s12  }
0xc1: {  	s30 =	smov.u32 @p3 s24  }
0xc2: {  	s24 =	sadd.s32 s30, s8  }
0xc3: {  	s24 =	sshll.u32 s24, $0x8  }
0xc4: {  	s24 =	sshra.s32 s24, $0x2  }
0xc5: {  	s25 =	sadd.s32 s24, s17  }
0xc6: {  	v10 =	vld [tilespmem:s25+$0xFFFFFFF0]  }
0xc7: {  	v11 =	vld [tilespmem:s25+$0x30]  }
0xc8: {  	p2 =	sgt.s32 s23, $0x1;
	v7 =	vld [tilespmem:s25+$0x0]  }
.Ltmp13:
0xc9: {  	v5 =	vld [tilespmem:s25+$0xFFFFFFD0];
	(pc) =	sbr.rel @!p2 .LBB2_13-.Ltmp13, $4  }
0xca: {  	v8 =	vld [tilespmem:s25+$0x10]  }
0xcb: {  	v6 =	vld [tilespmem:s25+$0xFFFFFFE0]  }
0xcc: {  	v9 =	vld [tilespmem:s25+$0x20];
	v11 =	vadd.f32 v11, v10  }
0xcd: {  	s24 =	simm.s32 $0x1;
	v10 =	vld [tilespmem:s25+$0xFFFFFFC0];
	s25 =	sadd.s32 $0x80, s25  }
.LBB2_12:
0xce: {  	v12 =	vld [tilespmem:s25+$0xFFFFFFF0];
	v1 =	vadd.f32 v11, v1  }
0xcf: {  	s24 =	sadd.s32 $0x1, s24;
	v11 =	vld [tilespmem:s25+$0x30];
	v8 =	vadd.f32 v8, v5  }
0xd0: {  	p2 =	slt.s32 s24, s23;
	v13 =	vld [tilespmem:s25+$0x0]  }
.Ltmp14:
0xd1: {  	v5 =	vld [tilespmem:s25+$0xFFFFFFD0];
	v9 =	vadd.f32 v9, v6;
	v3 =	vadd.f32 v8, v3;
	(pc) =	sbr.rel @p2 .LBB2_12-.Ltmp14, $4  }
0xd2: {  	v8 =	vld [tilespmem:s25+$0x10];
	v14 =	vadd.f32 v7, v10  }
0xd3: {  	v6 =	vld [tilespmem:s25+$0xFFFFFFE0];
	v2 =	vadd.f32 v9, v2  }
0xd4: {  	v9 =	vld [tilespmem:s25+$0x20];
	v11 =	vadd.f32 v11, v12;
	v4 =	vadd.f32 v14, v4  }
0xd5: {  	v10 =	vld [tilespmem:s25+$0xFFFFFFC0];
	s25 =	sadd.s32 $0x80, s25;
	v7 =	vmov v13  }
.LBB2_13:
0xd6: {  	_ =	sdelay $0x2  }
0xd7: {  	v5 =	vadd.f32 v8, v5  }
0xd8: {  	v6 =	vadd.f32 v9, v6;
	v7 =	vadd.f32 v7, v10  }
0xd9: {  	v1 =	vadd.f32 v11, v1;
	v3 =	vadd.f32 v5, v3  }
0xda: {  	v2 =	vadd.f32 v6, v2;
	v4 =	vadd.f32 v7, v4  }
.LBB2_14:
0xdb: {  	s23 =	sshll.u32 s23, $0x1  }
0xdc: {  	s16 =	sadd.s32 s16, s23  }
0xdd: {  	p2 =	sge.s32 s16, s14  }
.Ltmp15:
0xde: {  	_ = 	snop;
	(pc) =	sbr.rel @p2 .LBB2_18-.Ltmp15, $1  }
0xdf: {  	_ =	sdelay $0x3  }
0xe0: {  	p2 =	slt.s32 s20, s5;
	s23 =	smov.u32 s5  }
0xe1: {  	s23 =	smov.u32 @p2 s20  }
0xe2: {  	s23 =	ssub.s32 s23, s30  }
0xe3: {  	s23 =	sand.u32 $0x1, s23  }
0xe4: {  	p6 =	seq.s32 s23, $0x1  }
0xe5: {  	p1 =	por !p1, !p6  }
0xe6: {  	s23 =	simm.s32 $0x1;
	p1 =	por !p1, !p1  }
0xe7: {  	s23 =	simm.s32 @!p1 $0x0  }
0xe8: {  	s2 =	ssub.s32 s2, s23  }
0xe9: {  	s25 =	sadd.s32 s30, s8;
	s2 =	sshll.u32 s2, $0x1  }
0xea: {  	s2 =	sadd.s32 s2, s25  }
0xeb: {  	s2 =	sshll.u32 s2, $0x8  }
0xec: {  	s2 =	sshra.s32 s2, $0x2  }
0xed: {  	s30 =	sadd.s32 s2, s18  }
0xee: {  	s2 =	sadd.s32 $0x1, s16;
	v8 =	vld [tilespmem:s30+$0x0]  }
0xef: {  	v5 =	vld [tilespmem:s30+$0xFFFFFFE0];
	p1 =	slt.s32 s2, s14  }
.Ltmp16:
0xf0: {  	v6 =	vld [tilespmem:s30+$0xFFFFFFF0];
	(pc) =	sbr.rel @!p1 .LBB2_17-.Ltmp16, $2  }
0xf1: {  	v7 =	vld [tilespmem:s30+$0x10];
	_ =	sdelay $0x2  }
0xf2: {  	s16 =	sadd.s32 $0x40, s30;
	v2 =	vadd.f32 v8, v2  }
.LBB2_16:
0xf3: {  	s2 =	sadd.s32 $0x1, s2  }
0xf4: {  	v8 =	vld [tilespmem:s16+$0x0];
	v4 =	vadd.f32 v5, v4;
	p1 =	slt.s32 s2, s14  }
.Ltmp17:
0xf5: {  	v3 =	vadd.f32 v6, v3;
	v5 =	vld [tilespmem:s16+$0xFFFFFFE0];
	(pc) =	sbr.rel @p1 .LBB2_16-.Ltmp17, $3  }
0xf6: {  	v1 =	vadd.f32 v7, v1;
	v6 =	vld [tilespmem:s16+$0xFFFFFFF0]  }
0xf7: {  	v7 =	vld [tilespmem:s16+$0x10];
	_ =	sdelay $0x1  }
0xf8: {  	s16 =	sadd.s32 $0x40, s16;
	v2 =	vadd.f32 v8, v2  }
.Ltmp18:
0xf9: {  	_ = 	snop;
	(pc) =	sbr.rel .LBB2_17-.Ltmp18, $1  }
0xfa: {  	_ =	sdelay $0x3  }
.LBB2_22:
0xfb: {  	_ =	sfence.sel $0x180000  }
0xfc: {  	[bflag:$0x0] =	sbarrier.arrive $0xFFFF  }
0xfd: {  	_ =	strace $0x90000047  }
0xfe: {  	s0 =	stileid.u32;
	[bflag:$0x2] =	sbarrier.arrive $0xFFFF  }
0xff: {  	p0 =	sne.s32 s0, $0x0;
	s0 =	rddreg [dreg:$0x4]  }
0x100: {  	s0 =	sadd.s32 @!p0 $0x100000, s0  }
0x101: {  	[sflag:s0] =	ssyncadd.tile.s32 @!p0 $0x1;
	_ =	shalt  }
.Lfunc_end2:
_tile_overlayer_lowered:
.L_overlay_start_2:
0x102: {  	(tag) =	ssettag $0x2  }
0x103: {  	s0 =	rddreg [dreg:$0x0];
	s2 =	stileid.u32  }
0x104: {  	s1 =	rddreg [dreg:$0x1];
	p0 =	sne.s32 s2, $0x0  }
0x105: {  	s3 =	rddreg [dreg:$0x2];
	[bflag:$0x3] =	sbarrier.arrive $0xFFFF;
	s2 =	simm.s32 @!p0 $0x1C03  }
0x106: {  	[timem:s3], [sflag:s2] =	dma.local @!p0 [hbm:s0], s1  }
0x107: {  	s0 =	simm.s32 @!p0 $0x3  }
0x108: {  	_ =	swait.ge @!p0 [sflag:s0], s1  }
0x109: {  	s1 =	ssub.s32 @!p0 $0x0, s1;
	[sflag:s0] =	ssyncset.done @!p0 $0x0  }
0x10a: {  	[sflag:s0] =	ssyncadd.s32 @!p0 s1  }
0x10b: {  	[bflag:$0x3] =	sbarrier.arrive $0xFFFF  }
0x10c: {  	_ =	shalt  }

</sc_bundles>
